<compile_context>
chip_gen: v7x
topology: tpu7x:2x2x1
jax: 0.10.2.dev20260603
libtpu: 0.0.44.dev20260713+nightly
codegen_flags: <defaults>
</compile_context>

<pallas_src>
import functools

import jax
import jax.numpy as jnp
from jax import lax
from jax.experimental import pallas as pl
from jax.experimental.pallas import tpu as pltpu
from jax.experimental.pallas import tpu_sc as plsc


def _scan_body(bias_ref, hid_ref, w_ref, scores_ref):
    part = lax.dot_general(
        w_ref[...], hid_ref[...],
        dimension_numbers=(((1,), (1,)), ((), ())),
        preferred_element_type=jnp.float32,
    )
    scores_ref[0] = part + bias_ref[0]


def _select_body(k_ref, scores_ref, mask_ref, *, idx_bits):
    s = scores_ref[...]
    B = s.shape[0]
    u = lax.bitcast_convert_type(s, jnp.uint32)
    neg = u >= jnp.uint32(0x80000000)
    key = jnp.where(neg, ~u, u | jnp.uint32(0x80000000))
    kk = k_ref[...]

    th = jnp.zeros((B, 1), jnp.uint32)
    for shift in range(30, -2, -2):
        d = jnp.zeros((B, 1), jnp.int32)
        for c in (1, 2, 3):
            cnt = jnp.sum((key >= (th | jnp.uint32(c << shift)))
                          .astype(jnp.int32), axis=1, keepdims=True)
            d = d + (cnt >= kk).astype(jnp.int32)
        th = th | (d.astype(jnp.uint32) << shift)

    gt = key > th
    tie = key == th
    need = kk - jnp.sum(gt.astype(jnp.int32), axis=1, keepdims=True)
    idxs = lax.broadcasted_iota(jnp.int32, s.shape, 1)

    rsel = jnp.zeros((B, 1), jnp.int32)
    for shift in range(idx_bits - 2, -2, -2):
        d = jnp.zeros((B, 1), jnp.int32)
        for c in (1, 2, 3):
            cnt = jnp.sum((tie & (idxs < (rsel + jnp.int32(c << shift))))
                          .astype(jnp.int32), axis=1, keepdims=True)
            d = d + (cnt < need).astype(jnp.int32)
        rsel = rsel + (d << shift)

    mask_ref[...] = (gt | (tie & (idxs <= rsel))).astype(jnp.int32)


def _sc_select_body(scores_hbm, k_hbm, out_hbm, row_v, k_v, hist_v, mask_v):
    B, T = scores_hbm.shape
    NV = T // 16

    wid = lax.axis_index("s") * 2 + lax.axis_index("c")

    @pl.when(wid < B)
    def _():
        pltpu.sync_copy(scores_hbm.at[wid], row_v)
        pltpu.sync_copy(k_hbm, k_v)
        kvec = k_v[...]
        lane = lax.iota(jnp.int32, 16)
        k_row = lax.reduce_sum(jnp.where(lane == wid, kvec, 0), (0,))

        ones = jnp.ones((16,), jnp.int32)
        zeros16 = jnp.zeros((16,), jnp.int32)

        def key_at(i):
            f = row_v[pl.ds(i * 16, 16)]
            u = plsc.bitcast(f, jnp.uint32)
            neg = u >= jnp.uint32(0x80000000)
            return jnp.where(neg, ~u, u | jnp.uint32(0x80000000))

        def level(l, prefix, k_rem):
            shift_pref = 32 - 8 * l
            shift_bkt = 24 - 8 * l

            def z(i, _):
                hist_v[pl.ds(i * 16, 16)] = zeros16
                return 0
            lax.fori_loop(0, 16, z, 0)

            def h(i, _):
                key = key_at(i)
                if l > 0:
                    elig = (key >> jnp.uint32(shift_pref)) == prefix
                else:
                    elig = key == key
                bkt = ((key >> jnp.uint32(shift_bkt))
                       & jnp.uint32(0xFF)).astype(jnp.int32)
                plsc.addupdate_scatter(hist_v, [bkt], ones, mask=elig)
                return 0
            lax.fori_loop(0, NV, h, 0)

            def s(j, c):
                acc, tb, g, done = c
                jj = 15 - j
                hv = hist_v[pl.ds(jj * 16, 16)]
                csum = plsc.cumsum(hv)
                vsum = lax.reduce_sum(hv, (0,))
                suff = vsum - csum + hv
                cond = (acc + suff) >= k_rem
                npc = lax.reduce_sum(cond.astype(jnp.int32), (0,))
                hit = jnp.logical_and(jnp.logical_not(done), npc > 0)
                above_in_vreg = lax.reduce_sum(
                    jnp.where(lane == npc - 1, suff - hv, 0), (0,))
                tb = jnp.where(hit, jj * 16 + npc - 1, tb)
                g = jnp.where(hit, acc + above_in_vreg, g)
                done = jnp.logical_or(done, npc > 0)
                return (acc + vsum, tb, g, done)
            _, tb, g, _ = lax.fori_loop(
                0, 16, s,
                (jnp.int32(0), jnp.int32(0), jnp.int32(0), False))

            prefix = (prefix << jnp.uint32(8)) | tb.astype(jnp.uint32)
            return prefix, k_rem - g

        prefix, need = level(0, jnp.uint32(0), k_row)
        prefix, need = level(1, prefix, need)
        prefix, need = level(2, prefix, need)
        th, need = level(3, prefix, need)

        def m(i, carry):
            key = key_at(i)
            gt = key > th
            tie = key == th
            tcs = plsc.cumsum(tie.astype(jnp.int32))
            rank = carry + tcs
            sel = jnp.logical_or(gt, jnp.logical_and(tie, rank <= need))
            mask_v[pl.ds(i * 16, 16)] = sel.astype(jnp.int32)
            return carry + lax.reduce_sum(tie.astype(jnp.int32), (0,))
        lax.fori_loop(0, NV, m, jnp.int32(0))

        pltpu.sync_copy(mask_v, out_hbm.at[wid])


def _sc_select(scores, k):
    B, T = scores.shape
    k_pad = jnp.zeros((16,), jnp.int32).at[:B].set(k)
    mesh = plsc.VectorSubcoreMesh(core_axis_name="c", subcore_axis_name="s")
    f = pl.kernel(
        _sc_select_body,
        mesh=mesh,
        out_type=jax.ShapeDtypeStruct((B, T), jnp.int32),
        scratch_types=[
            pltpu.VMEM((T,), jnp.float32),
            pltpu.VMEM((16,), jnp.int32),
            pltpu.VMEM((256,), jnp.int32),
            pltpu.VMEM((T,), jnp.int32),
        ],
        compiler_params=pltpu.CompilerParams(needs_layout_passes=False),
    )
    return f(scores, k_pad)


def kernel(hidden, keep_ratio, W, b):
    B, T, C = hidden.shape
    T_BLK = 512
    N = (B * T) // T_BLK
    idx_bits = (T - 1).bit_length()
    if idx_bits % 2:
        idx_bits += 1

    kr = jnp.clip(keep_ratio, 0.1, 1.0)
    k = jnp.maximum(1, (kr * T).astype(jnp.int32))
    w_row = W.reshape(1, C)
    hid2d = hidden.reshape(B * T, C)

    scores3 = pl.pallas_call(
        _scan_body,
        grid=(N,),
        in_specs=[
            pl.BlockSpec(memory_space=pltpu.SMEM),
            pl.BlockSpec((T_BLK, C), lambda i: (i, 0)),
            pl.BlockSpec((1, C), lambda i: (0, 0)),
        ],
        out_specs=pl.BlockSpec((1, 1, T_BLK), lambda i: (i, 0, 0)),
        out_shape=jax.ShapeDtypeStruct((N, 1, T_BLK), jnp.float32),
        compiler_params=pltpu.CompilerParams(
            dimension_semantics=("arbitrary",),
        ),
    )(b, hid2d, w_row)
    scores = scores3.reshape(B, T)

    mask_i32 = _sc_select(scores, k)

    return (mask_i32.astype(jnp.bool_), scores)

# --- scband reference (transcript-rebuilt; emitter-appended) ---
"""Pipeline reference for scband-dtrrouter-59184649339140 (READ-ONLY COPY).

The authoritative reference and input builder live on the scoring server;
editing this copy changes nothing except your own understanding.
"""

import jax, jax.numpy as jnp
import numpy as np

B, T, C = 4, 4096, 4096
MIN_KEEP = 0.1


def setup_inputs(seed: int = 0) -> dict:
    key = jax.random.key(seed)
    k1, k2, k3, k4 = jax.random.split(key, 4)
    hidden = jax.random.normal(k1, (B, T, C), dtype=jnp.float32)
    keep_ratio = jax.random.uniform(k2, (B,), dtype=jnp.float32)
    # score_proj: nn.Linear(dim, 1) -> weight [1, C], bias [1]
    bound = 1.0 / np.sqrt(C)
    W = jax.random.uniform(k3, (C, 1), dtype=jnp.float32, minval=-bound, maxval=bound)
    b = jax.random.uniform(k4, (1,), dtype=jnp.float32, minval=-bound, maxval=bound)
    return {"hidden": hidden, "keep_ratio": keep_ratio, "W": W, "b": b}


def reference(hidden, keep_ratio, W, b):
    # scores = Linear(hidden).squeeze(-1)  -> [B, T]
    scores = (hidden @ W).squeeze(-1) + b[0]
    kr = jnp.clip(keep_ratio, MIN_KEEP, 1.0)
    # k = max(1, int(kr * T)) per batch row (int() truncates)
    k = jnp.maximum(1, (kr * T).astype(jnp.int32))  # [B]
    # topk selection expressed as rank comparison (equivalent for distinct scores)
    order = jnp.argsort(-scores, axis=-1)          # descending order indices
    ranks = jnp.argsort(order, axis=-1)            # rank of each token in descending sort
    token_mask = ranks < k[:, None]                # [B, T] bool
    return (token_mask, scores)

if __name__ == "__main__":
    import jax
    _d = setup_inputs()
    print(jax.jit(kernel)(*tuple(_d.values())))

</pallas_src>

<mosaic_0001>
#map = affine_map<(d0, d1) -> (0, 0)>
#map1 = affine_map<(d0, d1) -> (0)>
module attributes {stable_mosaic.version = 14 : i64} {
  func.func @_sc_select_body(%arg0: i32, %arg1: i32, %arg2: memref<4x4096xf32, #tpu.memory_space<hbm>>, %arg3: memref<16xi32, #tpu.memory_space<hbm>>, %arg4: memref<4x4096xi32, #tpu.memory_space<hbm>>, %arg5: memref<4096xf32, #tpu.memory_space<vmem>>, %arg6: memref<16xi32, #tpu.memory_space<vmem>>, %arg7: memref<256xi32, #tpu.memory_space<vmem>>, %arg8: memref<4096xi32, #tpu.memory_space<vmem>>) attributes {dimension_semantics = [#tpu.dimension_semantics<core_parallel>, #tpu.dimension_semantics<subcore_parallel>], iteration_bounds = array<i64: 2, 16>, scalar_prefetch = 0 : i64, scratch_operands = 4 : i64, tpu.core_type = #tpu.core_type<sc_vector_subcore>, window_params = [{transform_indices = #map}, {transform_indices = #map1}, {transform_indices = #map}]} {
    %mul3A = arith.constant 2 : i32
    %mul3A_0 = arith.muli %arg1, %mul3A : i32
    %add3A = arith.addi %mul3A_0, %arg0 : i32
    %lt3A = arith.constant 4 : i32
    %lt3A_1 = arith.cmpi slt, %add3A, %lt3A : i32
    %convert_element_type3A = arith.extui %lt3A_1 : i1 to i32
    %cond3A = arith.constant 0 : i32
    %cond3A_2 = arith.cmpi ne, %convert_element_type3A, %cond3A : i32
    scf.if %cond3A_2 {
      "tpu.region"() ({
        %run_scoped3A = tpu.sem_alloc : memref<!tpu.dma_semaphore, #tpu.memory_space<semaphore_mem>>
        %dma_start3A = arith.constant 0 : i32
        %dma_start3A_128 = tpu.memref_slice %arg2[%add3A, %dma_start3A] : memref<4x4096xf32, #tpu.memory_space<hbm>> -> memref<1x4096xf32, #tpu.memory_space<hbm>>
        %dma_start3A_129 = tpu.memref_squeeze %dma_start3A_128 : memref<1x4096xf32, #tpu.memory_space<hbm>> -> memref<4096xf32, #tpu.memory_space<hbm>>
        %dma_start3A_130 = arith.constant 0 : i32
        %dma_start3A_131 = tpu.memref_slice %arg2[%add3A, %dma_start3A_130] : memref<4x4096xf32, #tpu.memory_space<hbm>> -> memref<1x4096xf32, #tpu.memory_space<hbm>>
        %dma_start3A_132 = tpu.memref_squeeze %dma_start3A_131 : memref<1x4096xf32, #tpu.memory_space<hbm>> -> memref<4096xf32, #tpu.memory_space<hbm>>
        tpu.enqueue_dma source(%dma_start3A_132 : memref<4096xf32, #tpu.memory_space<hbm>>) target(%arg5 : memref<4096xf32, #tpu.memory_space<vmem>>) target_semaphore(%run_scoped3A : memref<!tpu.dma_semaphore, #tpu.memory_space<semaphore_mem>>)
        %dma_wait3A = arith.constant 0 : i32
        %dma_wait3A_133 = tpu.memref_slice %arg2[%add3A, %dma_wait3A] : memref<4x4096xf32, #tpu.memory_space<hbm>> -> memref<1x4096xf32, #tpu.memory_space<hbm>>
        %dma_wait3A_134 = tpu.memref_squeeze %dma_wait3A_133 : memref<1x4096xf32, #tpu.memory_space<hbm>> -> memref<4096xf32, #tpu.memory_space<hbm>>
        %dma_wait3A_135 = arith.constant 0 : i32
        %dma_wait3A_136 = tpu.memref_slice %arg2[%add3A, %dma_wait3A_135] : memref<4x4096xf32, #tpu.memory_space<hbm>> -> memref<1x4096xf32, #tpu.memory_space<hbm>>
        %dma_wait3A_137 = tpu.memref_squeeze %dma_wait3A_136 : memref<1x4096xf32, #tpu.memory_space<hbm>> -> memref<4096xf32, #tpu.memory_space<hbm>>
        tpu.wait_dma2 semaphore(%run_scoped3A : memref<!tpu.dma_semaphore, #tpu.memory_space<semaphore_mem>>) src(%dma_wait3A_137 : memref<4096xf32, #tpu.memory_space<hbm>>) dst(%arg5 : memref<4096xf32, #tpu.memory_space<vmem>>)
        tpu.yield
      }) : () -> ()
      "tpu.region"() ({
        %run_scoped3A = tpu.sem_alloc : memref<!tpu.dma_semaphore, #tpu.memory_space<semaphore_mem>>
        tpu.enqueue_dma source(%arg3 : memref<16xi32, #tpu.memory_space<hbm>>) target(%arg6 : memref<16xi32, #tpu.memory_space<vmem>>) target_semaphore(%run_scoped3A : memref<!tpu.dma_semaphore, #tpu.memory_space<semaphore_mem>>)
        tpu.wait_dma2 semaphore(%run_scoped3A : memref<!tpu.dma_semaphore, #tpu.memory_space<semaphore_mem>>) src(%arg3 : memref<16xi32, #tpu.memory_space<hbm>>) dst(%arg6 : memref<16xi32, #tpu.memory_space<vmem>>)
        tpu.yield
      }) : () -> ()
      %get3A = arith.constant 0 : index
      %get3A_3 = tpu.vector_load %arg6[%get3A] {strides = array<i32>} : memref<16xi32, #tpu.memory_space<vmem>>, vector<16xi32>,
      %iota3A = tpu.iota {dimensions = array<i32: 0>} : vector<16xi32>
      %eq3A = vector.broadcast %add3A : i32 to vector<16xi32>
      %eq3A_4 = arith.cmpi eq, %iota3A, %eq3A : vector<16xi32>
      %jit3A = arith.constant 0 : i32
      %broadcast_in_dim3A = vector.broadcast %jit3A : i32 to vector<16xi32>
      %select_n3A = arith.select %eq3A_4, %get3A_3, %broadcast_in_dim3A : vector<16xi1>, vector<16xi32>
      %reduce_sum3A = arith.constant true
      %reduce_sum3A_5 = vector.broadcast %reduce_sum3A : i1 to vector<16xi1>
      %reduce_sum3A_6 = tpu.scan <sum>, %select_n3A masked %reduce_sum3A_5 : vector<16xi32>, vector<16xi1> -> vector<16xi32>
      %reduce_sum3A_7 = vector.extract %reduce_sum3A_6[15] : i32 from vector<16xi32>
      %broadcast_in_dim3A_8 = arith.constant 1 : i32
      %broadcast_in_dim3A_9 = vector.broadcast %broadcast_in_dim3A_8 : i32 to vector<16xi32>
      %broadcast_in_dim3A_10 = arith.constant 0 : i32
      %broadcast_in_dim3A_11 = vector.broadcast %broadcast_in_dim3A_10 : i32 to vector<16xi32>
      %scan3A = arith.constant 0 : i32
      %scan3A_12 = arith.constant 0 : i32
      %scan3A_13 = arith.constant 16 : i32
      %scan3A_14 = arith.addi %scan3A_12, %scan3A_13 : i32
      %scan3A_15 = arith.constant 1 : i32
      %scan3A_16 = scf.for %scan3A_128 = %scan3A_12 to %scan3A_14 step %scan3A_15 iter_args(%scan3A_129 = %scan3A) -> (i32)  : i32 {
        %mul3A_130 = arith.constant 16 : i32
        %mul3A_131 = arith.muli %scan3A_128, %mul3A_130 : i32
        %swap3A = arith.index_cast %mul3A_131 : i32 to index
        %swap3A_132 = tpu.vector_load %arg7[%swap3A] {strides = array<i32>} : memref<256xi32, #tpu.memory_space<vmem>>, vector<16xi32>,
        tpu.vector_store %arg7[%swap3A], %broadcast_in_dim3A_11 {strides = array<i32>} : memref<256xi32, #tpu.memory_space<vmem>>, vector<16xi32>,
        %scan3A_133 = arith.constant 0 : i32
        scf.yield %scan3A_133 : i32
      }
      %scan3A_17 = arith.constant 16 : i32
      %scan3A_18 = arith.constant 0 : i32
      %scan3A_19 = arith.constant 0 : i32
      %scan3A_20 = arith.constant 256 : i32
      %scan3A_21 = arith.addi %scan3A_19, %scan3A_20 : i32
      %scan3A_22 = arith.constant 1 : i32
      %scan3A_23 = scf.for %scan3A_128 = %scan3A_19 to %scan3A_21 step %scan3A_22 iter_args(%scan3A_129 = %scan3A_18) -> (i32)  : i32 {
        %mul3A_130 = arith.constant 16 : i32
        %mul3A_131 = arith.muli %scan3A_128, %mul3A_130 : i32
        %get3A_132 = arith.index_cast %mul3A_131 : i32 to index
        %get3A_133 = tpu.vector_load %arg5[%get3A_132] {strides = array<i32>} : memref<4096xf32, #tpu.memory_space<vmem>>, vector<16xf32>,
        %bitcast3A = vector.bitcast %get3A_133 : vector<16xf32> to vector<16xi32>
        %ge3A = arith.constant -2147483648 : i32
        %ge3A_134 = vector.broadcast %ge3A : i32 to vector<16xi32>
        %ge3A_135 = arith.cmpi uge, %bitcast3A, %ge3A_134 : vector<16xi32>
        %not3A = arith.constant dense<-1> : vector<16xi32>
        %not3A_136 = arith.xori %bitcast3A, %not3A : vector<16xi32>
        %or3A_137 = arith.constant -2147483648 : i32
        %or3A_138 = vector.broadcast %or3A_137 : i32 to vector<16xi32>
        %or3A_139 = arith.ori %bitcast3A, %or3A_138 : vector<16xi32>
        %select_n3A_140 = arith.select %ge3A_135, %not3A_136, %or3A_139 : vector<16xi1>, vector<16xi32>
        %eq3A_141 = arith.cmpi eq, %select_n3A_140, %select_n3A_140 : vector<16xi32>
        %shift_right_logical3A = arith.constant 24 : i32
        %shift_right_logical3A_142 = vector.broadcast %shift_right_logical3A : i32 to vector<16xi32>
        %shift_right_logical3A_143 = arith.shrui %select_n3A_140, %shift_right_logical3A_142 : vector<16xi32>
        %and3A = arith.constant 255 : i32
        %and3A_144 = vector.broadcast %and3A : i32 to vector<16xi32>
        %and3A_145 = arith.andi %shift_right_logical3A_143, %and3A_144 : vector<16xi32>
        tpu.vector_store_idx %arg7[%and3A_145], %broadcast_in_dim3A_9 masked %eq3A_141 {add = true} : memref<256xi32, #tpu.memory_space<vmem>>[vector<16xi32>], vector<16xi32>, vector<16xi1>
        %scan3A_146 = arith.constant 0 : i32
        scf.yield %scan3A_146 : i32
      }
      %scan3A_24 = arith.constant 256 : i32
      %scan3A_25 = arith.constant 0 : i32
      %scan3A_26 = arith.constant 0 : i32
      %scan3A_27 = arith.constant 0 : i32
      %scan3A_28 = arith.constant false
      %scan3A_29 = arith.constant 0 : i32
      %scan3A_30 = arith.constant 16 : i32
      %scan3A_31 = arith.addi %scan3A_29, %scan3A_30 : i32
      %scan3A_32 = arith.constant 1 : i32
      %scan3A_33:4 = scf.for %scan3A_128 = %scan3A_29 to %scan3A_31 step %scan3A_32 iter_args(%scan3A_129 = %scan3A_25, %scan3A_130 = %scan3A_26, %scan3A_131 = %scan3A_27, %scan3A_132 = %scan3A_28) -> (i32, i32, i32, i1)  : i32 {
        %sub3A_133 = arith.constant 15 : i32
        %sub3A_134 = arith.subi %sub3A_133, %scan3A_128 : i32
        %mul3A_135 = arith.constant 16 : i32
        %mul3A_136 = arith.muli %sub3A_134, %mul3A_135 : i32
        %get3A_137 = arith.index_cast %mul3A_136 : i32 to index
        %get3A_138 = tpu.vector_load %arg7[%get3A_137] {strides = array<i32>} : memref<256xi32, #tpu.memory_space<vmem>>, vector<16xi32>,
        %broadcast_in_dim3A_139 = arith.constant true
        %broadcast_in_dim3A_140 = vector.broadcast %broadcast_in_dim3A_139 : i1 to vector<16xi1>
        %masked_cumsum3A = tpu.scan <sum>, %get3A_138 masked %broadcast_in_dim3A_140 : vector<16xi32>, vector<16xi1> -> vector<16xi32>
        %reduce_sum3A_141 = arith.constant true
        %reduce_sum3A_142 = vector.broadcast %reduce_sum3A_141 : i1 to vector<16xi1>
        %reduce_sum3A_143 = tpu.scan <sum>, %get3A_138 masked %reduce_sum3A_142 : vector<16xi32>, vector<16xi1> -> vector<16xi32>
        %reduce_sum3A_144 = vector.extract %reduce_sum3A_143[15] : i32 from vector<16xi32>
        %sub3A_145 = vector.broadcast %reduce_sum3A_144 : i32 to vector<16xi32>
        %sub3A_146 = arith.subi %sub3A_145, %masked_cumsum3A : vector<16xi32>
        %add3A_147 = arith.addi %sub3A_146, %get3A_138 : vector<16xi32>
        %add3A_148 = vector.broadcast %scan3A_129 : i32 to vector<16xi32>
        %add3A_149 = arith.addi %add3A_148, %add3A_147 : vector<16xi32>
        %ge3A = vector.broadcast %reduce_sum3A_7 : i32 to vector<16xi32>
        %ge3A_150 = arith.cmpi sge, %add3A_149, %ge3A : vector<16xi32>
        %convert_element_type3A_151 = arith.extui %ge3A_150 : vector<16xi1> to vector<16xi32>
        %reduce_sum3A_152 = arith.constant true
        %reduce_sum3A_153 = vector.broadcast %reduce_sum3A_152 : i1 to vector<16xi1>
        %reduce_sum3A_154 = tpu.scan <sum>, %convert_element_type3A_151 masked %reduce_sum3A_153 : vector<16xi32>, vector<16xi1> -> vector<16xi32>
        %reduce_sum3A_155 = vector.extract %reduce_sum3A_154[15] : i32 from vector<16xi32>
        %not3A = arith.constant true
        %not3A_156 = arith.xori %scan3A_132, %not3A : i1
        %gt3A = arith.constant 0 : i32
        %gt3A_157 = arith.cmpi sgt, %reduce_sum3A_155, %gt3A : i32
        %and3A = arith.andi %not3A_156, %gt3A_157 : i1
        %sub3A_158 = arith.constant 1 : i32
        %sub3A_159 = arith.subi %reduce_sum3A_155, %sub3A_158 : i32
        %eq3A_160 = vector.broadcast %sub3A_159 : i32 to vector<16xi32>
        %eq3A_161 = arith.cmpi eq, %iota3A, %eq3A_160 : vector<16xi32>
        %sub3A_162 = arith.subi %add3A_147, %get3A_138 : vector<16xi32>
        %jit3A_163 = arith.constant 0 : i32
        %broadcast_in_dim3A_164 = vector.broadcast %jit3A_163 : i32 to vector<16xi32>
        %select_n3A_165 = arith.select %eq3A_161, %sub3A_162, %broadcast_in_dim3A_164 : vector<16xi1>, vector<16xi32>
        %reduce_sum3A_166 = arith.constant true
        %reduce_sum3A_167 = vector.broadcast %reduce_sum3A_166 : i1 to vector<16xi1>
        %reduce_sum3A_168 = tpu.scan <sum>, %select_n3A_165 masked %reduce_sum3A_167 : vector<16xi32>, vector<16xi1> -> vector<16xi32>
        %reduce_sum3A_169 = vector.extract %reduce_sum3A_168[15] : i32 from vector<16xi32>
        %mul3A_170 = arith.constant 16 : i32
        %mul3A_171 = arith.muli %sub3A_134, %mul3A_170 : i32
        %add3A_172 = arith.addi %mul3A_171, %reduce_sum3A_155 : i32
        %sub3A_173 = arith.constant 1 : i32
        %sub3A_174 = arith.subi %add3A_172, %sub3A_173 : i32
        %select_n3A_175 = arith.select %and3A, %sub3A_174, %scan3A_130 : i32
        %add3A_176 = arith.addi %scan3A_129, %reduce_sum3A_169 : i32
        %select_n3A_177 = arith.select %and3A, %add3A_176, %scan3A_131 : i32
        %gt3A_178 = arith.constant 0 : i32
        %gt3A_179 = arith.cmpi sgt, %reduce_sum3A_155, %gt3A_178 : i32
        %or3A_180 = arith.ori %scan3A_132, %gt3A_179 : i1
        %add3A_181 = arith.addi %scan3A_129, %reduce_sum3A_144 : i32
        scf.yield %add3A_181, %select_n3A_175, %select_n3A_177, %or3A_180 : i32, i32, i32, i1
      }
      %scan3A_34 = arith.constant 16 : i32
      %shift_left3A = arith.constant 0 : i32
      %shift_left3A_35 = arith.constant 8 : i32
      %shift_left3A_36 = arith.shli %shift_left3A, %shift_left3A_35 : i32
      %or3A = arith.ori %shift_left3A_36, %scan3A_33#1 : i32
      %sub3A = arith.subi %reduce_sum3A_7, %scan3A_33#2 : i32
      %scan3A_37 = arith.constant 0 : i32
      %scan3A_38 = arith.constant 0 : i32
      %scan3A_39 = arith.constant 16 : i32
      %scan3A_40 = arith.addi %scan3A_38, %scan3A_39 : i32
      %scan3A_41 = arith.constant 1 : i32
      %scan3A_42 = scf.for %scan3A_128 = %scan3A_38 to %scan3A_40 step %scan3A_41 iter_args(%scan3A_129 = %scan3A_37) -> (i32)  : i32 {
        %mul3A_130 = arith.constant 16 : i32
        %mul3A_131 = arith.muli %scan3A_128, %mul3A_130 : i32
        %swap3A = arith.index_cast %mul3A_131 : i32 to index
        %swap3A_132 = tpu.vector_load %arg7[%swap3A] {strides = array<i32>} : memref<256xi32, #tpu.memory_space<vmem>>, vector<16xi32>,
        tpu.vector_store %arg7[%swap3A], %broadcast_in_dim3A_11 {strides = array<i32>} : memref<256xi32, #tpu.memory_space<vmem>>, vector<16xi32>,
        %scan3A_133 = arith.constant 0 : i32
        scf.yield %scan3A_133 : i32
      }
      %scan3A_43 = arith.constant 16 : i32
      %scan3A_44 = arith.constant 0 : i32
      %scan3A_45 = arith.constant 0 : i32
      %scan3A_46 = arith.constant 256 : i32
      %scan3A_47 = arith.addi %scan3A_45, %scan3A_46 : i32
      %scan3A_48 = arith.constant 1 : i32
      %scan3A_49 = scf.for %scan3A_128 = %scan3A_45 to %scan3A_47 step %scan3A_48 iter_args(%scan3A_129 = %scan3A_44) -> (i32)  : i32 {
        %mul3A_130 = arith.constant 16 : i32
        %mul3A_131 = arith.muli %scan3A_128, %mul3A_130 : i32
        %get3A_132 = arith.index_cast %mul3A_131 : i32 to index
        %get3A_133 = tpu.vector_load %arg5[%get3A_132] {strides = array<i32>} : memref<4096xf32, #tpu.memory_space<vmem>>, vector<16xf32>,
        %bitcast3A = vector.bitcast %get3A_133 : vector<16xf32> to vector<16xi32>
        %ge3A = arith.constant -2147483648 : i32
        %ge3A_134 = vector.broadcast %ge3A : i32 to vector<16xi32>
        %ge3A_135 = arith.cmpi uge, %bitcast3A, %ge3A_134 : vector<16xi32>
        %not3A = arith.constant dense<-1> : vector<16xi32>
        %not3A_136 = arith.xori %bitcast3A, %not3A : vector<16xi32>
        %or3A_137 = arith.constant -2147483648 : i32
        %or3A_138 = vector.broadcast %or3A_137 : i32 to vector<16xi32>
        %or3A_139 = arith.ori %bitcast3A, %or3A_138 : vector<16xi32>
        %select_n3A_140 = arith.select %ge3A_135, %not3A_136, %or3A_139 : vector<16xi1>, vector<16xi32>
        %shift_right_logical3A = arith.constant 24 : i32
        %shift_right_logical3A_141 = vector.broadcast %shift_right_logical3A : i32 to vector<16xi32>
        %shift_right_logical3A_142 = arith.shrui %select_n3A_140, %shift_right_logical3A_141 : vector<16xi32>
        %eq3A_143 = vector.broadcast %or3A : i32 to vector<16xi32>
        %eq3A_144 = arith.cmpi eq, %shift_right_logical3A_142, %eq3A_143 : vector<16xi32>
        %shift_right_logical3A_145 = arith.constant 16 : i32
        %shift_right_logical3A_146 = vector.broadcast %shift_right_logical3A_145 : i32 to vector<16xi32>
        %shift_right_logical3A_147 = arith.shrui %select_n3A_140, %shift_right_logical3A_146 : vector<16xi32>
        %and3A = arith.constant 255 : i32
        %and3A_148 = vector.broadcast %and3A : i32 to vector<16xi32>
        %and3A_149 = arith.andi %shift_right_logical3A_147, %and3A_148 : vector<16xi32>
        tpu.vector_store_idx %arg7[%and3A_149], %broadcast_in_dim3A_9 masked %eq3A_144 {add = true} : memref<256xi32, #tpu.memory_space<vmem>>[vector<16xi32>], vector<16xi32>, vector<16xi1>
        %scan3A_150 = arith.constant 0 : i32
        scf.yield %scan3A_150 : i32
      }
      %scan3A_50 = arith.constant 256 : i32
      %scan3A_51 = arith.constant 0 : i32
      %scan3A_52 = arith.constant 0 : i32
      %scan3A_53 = arith.constant 0 : i32
      %scan3A_54 = arith.constant false
      %scan3A_55 = arith.constant 0 : i32
      %scan3A_56 = arith.constant 16 : i32
      %scan3A_57 = arith.addi %scan3A_55, %scan3A_56 : i32
      %scan3A_58 = arith.constant 1 : i32
      %scan3A_59:4 = scf.for %scan3A_128 = %scan3A_55 to %scan3A_57 step %scan3A_58 iter_args(%scan3A_129 = %scan3A_51, %scan3A_130 = %scan3A_52, %scan3A_131 = %scan3A_53, %scan3A_132 = %scan3A_54) -> (i32, i32, i32, i1)  : i32 {
        %sub3A_133 = arith.constant 15 : i32
        %sub3A_134 = arith.subi %sub3A_133, %scan3A_128 : i32
        %mul3A_135 = arith.constant 16 : i32
        %mul3A_136 = arith.muli %sub3A_134, %mul3A_135 : i32
        %get3A_137 = arith.index_cast %mul3A_136 : i32 to index
        %get3A_138 = tpu.vector_load %arg7[%get3A_137] {strides = array<i32>} : memref<256xi32, #tpu.memory_space<vmem>>, vector<16xi32>,
        %broadcast_in_dim3A_139 = arith.constant true
        %broadcast_in_dim3A_140 = vector.broadcast %broadcast_in_dim3A_139 : i1 to vector<16xi1>
        %masked_cumsum3A = tpu.scan <sum>, %get3A_138 masked %broadcast_in_dim3A_140 : vector<16xi32>, vector<16xi1> -> vector<16xi32>
        %reduce_sum3A_141 = arith.constant true
        %reduce_sum3A_142 = vector.broadcast %reduce_sum3A_141 : i1 to vector<16xi1>
        %reduce_sum3A_143 = tpu.scan <sum>, %get3A_138 masked %reduce_sum3A_142 : vector<16xi32>, vector<16xi1> -> vector<16xi32>
        %reduce_sum3A_144 = vector.extract %reduce_sum3A_143[15] : i32 from vector<16xi32>
        %sub3A_145 = vector.broadcast %reduce_sum3A_144 : i32 to vector<16xi32>
        %sub3A_146 = arith.subi %sub3A_145, %masked_cumsum3A : vector<16xi32>
        %add3A_147 = arith.addi %sub3A_146, %get3A_138 : vector<16xi32>
        %add3A_148 = vector.broadcast %scan3A_129 : i32 to vector<16xi32>
        %add3A_149 = arith.addi %add3A_148, %add3A_147 : vector<16xi32>
        %ge3A = vector.broadcast %sub3A : i32 to vector<16xi32>
        %ge3A_150 = arith.cmpi sge, %add3A_149, %ge3A : vector<16xi32>
        %convert_element_type3A_151 = arith.extui %ge3A_150 : vector<16xi1> to vector<16xi32>
        %reduce_sum3A_152 = arith.constant true
        %reduce_sum3A_153 = vector.broadcast %reduce_sum3A_152 : i1 to vector<16xi1>
        %reduce_sum3A_154 = tpu.scan <sum>, %convert_element_type3A_151 masked %reduce_sum3A_153 : vector<16xi32>, vector<16xi1> -> vector<16xi32>
        %reduce_sum3A_155 = vector.extract %reduce_sum3A_154[15] : i32 from vector<16xi32>
        %not3A = arith.constant true
        %not3A_156 = arith.xori %scan3A_132, %not3A : i1
        %gt3A = arith.constant 0 : i32
        %gt3A_157 = arith.cmpi sgt, %reduce_sum3A_155, %gt3A : i32
        %and3A = arith.andi %not3A_156, %gt3A_157 : i1
        %sub3A_158 = arith.constant 1 : i32
        %sub3A_159 = arith.subi %reduce_sum3A_155, %sub3A_158 : i32
        %eq3A_160 = vector.broadcast %sub3A_159 : i32 to vector<16xi32>
        %eq3A_161 = arith.cmpi eq, %iota3A, %eq3A_160 : vector<16xi32>
        %sub3A_162 = arith.subi %add3A_147, %get3A_138 : vector<16xi32>
        %jit3A_163 = arith.constant 0 : i32
        %broadcast_in_dim3A_164 = vector.broadcast %jit3A_163 : i32 to vector<16xi32>
        %select_n3A_165 = arith.select %eq3A_161, %sub3A_162, %broadcast_in_dim3A_164 : vector<16xi1>, vector<16xi32>
        %reduce_sum3A_166 = arith.constant true
        %reduce_sum3A_167 = vector.broadcast %reduce_sum3A_166 : i1 to vector<16xi1>
        %reduce_sum3A_168 = tpu.scan <sum>, %select_n3A_165 masked %reduce_sum3A_167 : vector<16xi32>, vector<16xi1> -> vector<16xi32>
        %reduce_sum3A_169 = vector.extract %reduce_sum3A_168[15] : i32 from vector<16xi32>
        %mul3A_170 = arith.constant 16 : i32
        %mul3A_171 = arith.muli %sub3A_134, %mul3A_170 : i32
        %add3A_172 = arith.addi %mul3A_171, %reduce_sum3A_155 : i32
        %sub3A_173 = arith.constant 1 : i32
        %sub3A_174 = arith.subi %add3A_172, %sub3A_173 : i32
        %select_n3A_175 = arith.select %and3A, %sub3A_174, %scan3A_130 : i32
        %add3A_176 = arith.addi %scan3A_129, %reduce_sum3A_169 : i32
        %select_n3A_177 = arith.select %and3A, %add3A_176, %scan3A_131 : i32
        %gt3A_178 = arith.constant 0 : i32
        %gt3A_179 = arith.cmpi sgt, %reduce_sum3A_155, %gt3A_178 : i32
        %or3A_180 = arith.ori %scan3A_132, %gt3A_179 : i1
        %add3A_181 = arith.addi %scan3A_129, %reduce_sum3A_144 : i32
        scf.yield %add3A_181, %select_n3A_175, %select_n3A_177, %or3A_180 : i32, i32, i32, i1
      }
      %scan3A_60 = arith.constant 16 : i32
      %shift_left3A_61 = arith.constant 8 : i32
      %shift_left3A_62 = arith.shli %or3A, %shift_left3A_61 : i32
      %or3A_63 = arith.ori %shift_left3A_62, %scan3A_59#1 : i32
      %sub3A_64 = arith.subi %sub3A, %scan3A_59#2 : i32
      %scan3A_65 = arith.constant 0 : i32
      %scan3A_66 = arith.constant 0 : i32
      %scan3A_67 = arith.constant 16 : i32
      %scan3A_68 = arith.addi %scan3A_66, %scan3A_67 : i32
      %scan3A_69 = arith.constant 1 : i32
      %scan3A_70 = scf.for %scan3A_128 = %scan3A_66 to %scan3A_68 step %scan3A_69 iter_args(%scan3A_129 = %scan3A_65) -> (i32)  : i32 {
        %mul3A_130 = arith.constant 16 : i32
        %mul3A_131 = arith.muli %scan3A_128, %mul3A_130 : i32
        %swap3A = arith.index_cast %mul3A_131 : i32 to index
        %swap3A_132 = tpu.vector_load %arg7[%swap3A] {strides = array<i32>} : memref<256xi32, #tpu.memory_space<vmem>>, vector<16xi32>,
        tpu.vector_store %arg7[%swap3A], %broadcast_in_dim3A_11 {strides = array<i32>} : memref<256xi32, #tpu.memory_space<vmem>>, vector<16xi32>,
        %scan3A_133 = arith.constant 0 : i32
        scf.yield %scan3A_133 : i32
      }
      %scan3A_71 = arith.constant 16 : i32
      %scan3A_72 = arith.constant 0 : i32
      %scan3A_73 = arith.constant 0 : i32
      %scan3A_74 = arith.constant 256 : i32
      %scan3A_75 = arith.addi %scan3A_73, %scan3A_74 : i32
      %scan3A_76 = arith.constant 1 : i32
      %scan3A_77 = scf.for %scan3A_128 = %scan3A_73 to %scan3A_75 step %scan3A_76 iter_args(%scan3A_129 = %scan3A_72) -> (i32)  : i32 {
        %mul3A_130 = arith.constant 16 : i32
        %mul3A_131 = arith.muli %scan3A_128, %mul3A_130 : i32
        %get3A_132 = arith.index_cast %mul3A_131 : i32 to index
        %get3A_133 = tpu.vector_load %arg5[%get3A_132] {strides = array<i32>} : memref<4096xf32, #tpu.memory_space<vmem>>, vector<16xf32>,
        %bitcast3A = vector.bitcast %get3A_133 : vector<16xf32> to vector<16xi32>
        %ge3A = arith.constant -2147483648 : i32
        %ge3A_134 = vector.broadcast %ge3A : i32 to vector<16xi32>
        %ge3A_135 = arith.cmpi uge, %bitcast3A, %ge3A_134 : vector<16xi32>
        %not3A = arith.constant dense<-1> : vector<16xi32>
        %not3A_136 = arith.xori %bitcast3A, %not3A : vector<16xi32>
        %or3A_137 = arith.constant -2147483648 : i32
        %or3A_138 = vector.broadcast %or3A_137 : i32 to vector<16xi32>
        %or3A_139 = arith.ori %bitcast3A, %or3A_138 : vector<16xi32>
        %select_n3A_140 = arith.select %ge3A_135, %not3A_136, %or3A_139 : vector<16xi1>, vector<16xi32>
        %shift_right_logical3A = arith.constant 16 : i32
        %shift_right_logical3A_141 = vector.broadcast %shift_right_logical3A : i32 to vector<16xi32>
        %shift_right_logical3A_142 = arith.shrui %select_n3A_140, %shift_right_logical3A_141 : vector<16xi32>
        %eq3A_143 = vector.broadcast %or3A_63 : i32 to vector<16xi32>
        %eq3A_144 = arith.cmpi eq, %shift_right_logical3A_142, %eq3A_143 : vector<16xi32>
        %shift_right_logical3A_145 = arith.constant 8 : i32
        %shift_right_logical3A_146 = vector.broadcast %shift_right_logical3A_145 : i32 to vector<16xi32>
        %shift_right_logical3A_147 = arith.shrui %select_n3A_140, %shift_right_logical3A_146 : vector<16xi32>
        %and3A = arith.constant 255 : i32
        %and3A_148 = vector.broadcast %and3A : i32 to vector<16xi32>
        %and3A_149 = arith.andi %shift_right_logical3A_147, %and3A_148 : vector<16xi32>
        tpu.vector_store_idx %arg7[%and3A_149], %broadcast_in_dim3A_9 masked %eq3A_144 {add = true} : memref<256xi32, #tpu.memory_space<vmem>>[vector<16xi32>], vector<16xi32>, vector<16xi1>
        %scan3A_150 = arith.constant 0 : i32
        scf.yield %scan3A_150 : i32
      }
      %scan3A_78 = arith.constant 256 : i32
      %scan3A_79 = arith.constant 0 : i32
      %scan3A_80 = arith.constant 0 : i32
      %scan3A_81 = arith.constant 0 : i32
      %scan3A_82 = arith.constant false
      %scan3A_83 = arith.constant 0 : i32
      %scan3A_84 = arith.constant 16 : i32
      %scan3A_85 = arith.addi %scan3A_83, %scan3A_84 : i32
      %scan3A_86 = arith.constant 1 : i32
      %scan3A_87:4 = scf.for %scan3A_128 = %scan3A_83 to %scan3A_85 step %scan3A_86 iter_args(%scan3A_129 = %scan3A_79, %scan3A_130 = %scan3A_80, %scan3A_131 = %scan3A_81, %scan3A_132 = %scan3A_82) -> (i32, i32, i32, i1)  : i32 {
        %sub3A_133 = arith.constant 15 : i32
        %sub3A_134 = arith.subi %sub3A_133, %scan3A_128 : i32
        %mul3A_135 = arith.constant 16 : i32
        %mul3A_136 = arith.muli %sub3A_134, %mul3A_135 : i32
        %get3A_137 = arith.index_cast %mul3A_136 : i32 to index
        %get3A_138 = tpu.vector_load %arg7[%get3A_137] {strides = array<i32>} : memref<256xi32, #tpu.memory_space<vmem>>, vector<16xi32>,
        %broadcast_in_dim3A_139 = arith.constant true
        %broadcast_in_dim3A_140 = vector.broadcast %broadcast_in_dim3A_139 : i1 to vector<16xi1>
        %masked_cumsum3A = tpu.scan <sum>, %get3A_138 masked %broadcast_in_dim3A_140 : vector<16xi32>, vector<16xi1> -> vector<16xi32>
        %reduce_sum3A_141 = arith.constant true
        %reduce_sum3A_142 = vector.broadcast %reduce_sum3A_141 : i1 to vector<16xi1>
        %reduce_sum3A_143 = tpu.scan <sum>, %get3A_138 masked %reduce_sum3A_142 : vector<16xi32>, vector<16xi1> -> vector<16xi32>
        %reduce_sum3A_144 = vector.extract %reduce_sum3A_143[15] : i32 from vector<16xi32>
        %sub3A_145 = vector.broadcast %reduce_sum3A_144 : i32 to vector<16xi32>
        %sub3A_146 = arith.subi %sub3A_145, %masked_cumsum3A : vector<16xi32>
        %add3A_147 = arith.addi %sub3A_146, %get3A_138 : vector<16xi32>
        %add3A_148 = vector.broadcast %scan3A_129 : i32 to vector<16xi32>
        %add3A_149 = arith.addi %add3A_148, %add3A_147 : vector<16xi32>
        %ge3A = vector.broadcast %sub3A_64 : i32 to vector<16xi32>
        %ge3A_150 = arith.cmpi sge, %add3A_149, %ge3A : vector<16xi32>
        %convert_element_type3A_151 = arith.extui %ge3A_150 : vector<16xi1> to vector<16xi32>
        %reduce_sum3A_152 = arith.constant true
        %reduce_sum3A_153 = vector.broadcast %reduce_sum3A_152 : i1 to vector<16xi1>
        %reduce_sum3A_154 = tpu.scan <sum>, %convert_element_type3A_151 masked %reduce_sum3A_153 : vector<16xi32>, vector<16xi1> -> vector<16xi32>
        %reduce_sum3A_155 = vector.extract %reduce_sum3A_154[15] : i32 from vector<16xi32>
        %not3A = arith.constant true
        %not3A_156 = arith.xori %scan3A_132, %not3A : i1
        %gt3A = arith.constant 0 : i32
        %gt3A_157 = arith.cmpi sgt, %reduce_sum3A_155, %gt3A : i32
        %and3A = arith.andi %not3A_156, %gt3A_157 : i1
        %sub3A_158 = arith.constant 1 : i32
        %sub3A_159 = arith.subi %reduce_sum3A_155, %sub3A_158 : i32
        %eq3A_160 = vector.broadcast %sub3A_159 : i32 to vector<16xi32>
        %eq3A_161 = arith.cmpi eq, %iota3A, %eq3A_160 : vector<16xi32>
        %sub3A_162 = arith.subi %add3A_147, %get3A_138 : vector<16xi32>
        %jit3A_163 = arith.constant 0 : i32
        %broadcast_in_dim3A_164 = vector.broadcast %jit3A_163 : i32 to vector<16xi32>
        %select_n3A_165 = arith.select %eq3A_161, %sub3A_162, %broadcast_in_dim3A_164 : vector<16xi1>, vector<16xi32>
        %reduce_sum3A_166 = arith.constant true
        %reduce_sum3A_167 = vector.broadcast %reduce_sum3A_166 : i1 to vector<16xi1>
        %reduce_sum3A_168 = tpu.scan <sum>, %select_n3A_165 masked %reduce_sum3A_167 : vector<16xi32>, vector<16xi1> -> vector<16xi32>
        %reduce_sum3A_169 = vector.extract %reduce_sum3A_168[15] : i32 from vector<16xi32>
        %mul3A_170 = arith.constant 16 : i32
        %mul3A_171 = arith.muli %sub3A_134, %mul3A_170 : i32
        %add3A_172 = arith.addi %mul3A_171, %reduce_sum3A_155 : i32
        %sub3A_173 = arith.constant 1 : i32
        %sub3A_174 = arith.subi %add3A_172, %sub3A_173 : i32
        %select_n3A_175 = arith.select %and3A, %sub3A_174, %scan3A_130 : i32
        %add3A_176 = arith.addi %scan3A_129, %reduce_sum3A_169 : i32
        %select_n3A_177 = arith.select %and3A, %add3A_176, %scan3A_131 : i32
        %gt3A_178 = arith.constant 0 : i32
        %gt3A_179 = arith.cmpi sgt, %reduce_sum3A_155, %gt3A_178 : i32
        %or3A_180 = arith.ori %scan3A_132, %gt3A_179 : i1
        %add3A_181 = arith.addi %scan3A_129, %reduce_sum3A_144 : i32
        scf.yield %add3A_181, %select_n3A_175, %select_n3A_177, %or3A_180 : i32, i32, i32, i1
      }
      %scan3A_88 = arith.constant 16 : i32
      %shift_left3A_89 = arith.constant 8 : i32
      %shift_left3A_90 = arith.shli %or3A_63, %shift_left3A_89 : i32
      %or3A_91 = arith.ori %shift_left3A_90, %scan3A_87#1 : i32
      %sub3A_92 = arith.subi %sub3A_64, %scan3A_87#2 : i32
      %scan3A_93 = arith.constant 0 : i32
      %scan3A_94 = arith.constant 0 : i32
      %scan3A_95 = arith.constant 16 : i32
      %scan3A_96 = arith.addi %scan3A_94, %scan3A_95 : i32
      %scan3A_97 = arith.constant 1 : i32
      %scan3A_98 = scf.for %scan3A_128 = %scan3A_94 to %scan3A_96 step %scan3A_97 iter_args(%scan3A_129 = %scan3A_93) -> (i32)  : i32 {
        %mul3A_130 = arith.constant 16 : i32
        %mul3A_131 = arith.muli %scan3A_128, %mul3A_130 : i32
        %swap3A = arith.index_cast %mul3A_131 : i32 to index
        %swap3A_132 = tpu.vector_load %arg7[%swap3A] {strides = array<i32>} : memref<256xi32, #tpu.memory_space<vmem>>, vector<16xi32>,
        tpu.vector_store %arg7[%swap3A], %broadcast_in_dim3A_11 {strides = array<i32>} : memref<256xi32, #tpu.memory_space<vmem>>, vector<16xi32>,
        %scan3A_133 = arith.constant 0 : i32
        scf.yield %scan3A_133 : i32
      }
      %scan3A_99 = arith.constant 16 : i32
      %scan3A_100 = arith.constant 0 : i32
      %scan3A_101 = arith.constant 0 : i32
      %scan3A_102 = arith.constant 256 : i32
      %scan3A_103 = arith.addi %scan3A_101, %scan3A_102 : i32
      %scan3A_104 = arith.constant 1 : i32
      %scan3A_105 = scf.for %scan3A_128 = %scan3A_101 to %scan3A_103 step %scan3A_104 iter_args(%scan3A_129 = %scan3A_100) -> (i32)  : i32 {
        %mul3A_130 = arith.constant 16 : i32
        %mul3A_131 = arith.muli %scan3A_128, %mul3A_130 : i32
        %get3A_132 = arith.index_cast %mul3A_131 : i32 to index
        %get3A_133 = tpu.vector_load %arg5[%get3A_132] {strides = array<i32>} : memref<4096xf32, #tpu.memory_space<vmem>>, vector<16xf32>,
        %bitcast3A = vector.bitcast %get3A_133 : vector<16xf32> to vector<16xi32>
        %ge3A = arith.constant -2147483648 : i32
        %ge3A_134 = vector.broadcast %ge3A : i32 to vector<16xi32>
        %ge3A_135 = arith.cmpi uge, %bitcast3A, %ge3A_134 : vector<16xi32>
        %not3A = arith.constant dense<-1> : vector<16xi32>
        %not3A_136 = arith.xori %bitcast3A, %not3A : vector<16xi32>
        %or3A_137 = arith.constant -2147483648 : i32
        %or3A_138 = vector.broadcast %or3A_137 : i32 to vector<16xi32>
        %or3A_139 = arith.ori %bitcast3A, %or3A_138 : vector<16xi32>
        %select_n3A_140 = arith.select %ge3A_135, %not3A_136, %or3A_139 : vector<16xi1>, vector<16xi32>
        %shift_right_logical3A = arith.constant 8 : i32
        %shift_right_logical3A_141 = vector.broadcast %shift_right_logical3A : i32 to vector<16xi32>
        %shift_right_logical3A_142 = arith.shrui %select_n3A_140, %shift_right_logical3A_141 : vector<16xi32>
        %eq3A_143 = vector.broadcast %or3A_91 : i32 to vector<16xi32>
        %eq3A_144 = arith.cmpi eq, %shift_right_logical3A_142, %eq3A_143 : vector<16xi32>
        %shift_right_logical3A_145 = arith.constant 0 : i32
        %shift_right_logical3A_146 = vector.broadcast %shift_right_logical3A_145 : i32 to vector<16xi32>
        %shift_right_logical3A_147 = arith.shrui %select_n3A_140, %shift_right_logical3A_146 : vector<16xi32>
        %and3A = arith.constant 255 : i32
        %and3A_148 = vector.broadcast %and3A : i32 to vector<16xi32>
        %and3A_149 = arith.andi %shift_right_logical3A_147, %and3A_148 : vector<16xi32>
        tpu.vector_store_idx %arg7[%and3A_149], %broadcast_in_dim3A_9 masked %eq3A_144 {add = true} : memref<256xi32, #tpu.memory_space<vmem>>[vector<16xi32>], vector<16xi32>, vector<16xi1>
        %scan3A_150 = arith.constant 0 : i32
        scf.yield %scan3A_150 : i32
      }
      %scan3A_106 = arith.constant 256 : i32
      %scan3A_107 = arith.constant 0 : i32
      %scan3A_108 = arith.constant 0 : i32
      %scan3A_109 = arith.constant 0 : i32
      %scan3A_110 = arith.constant false
      %scan3A_111 = arith.constant 0 : i32
      %scan3A_112 = arith.constant 16 : i32
      %scan3A_113 = arith.addi %scan3A_111, %scan3A_112 : i32
      %scan3A_114 = arith.constant 1 : i32
      %scan3A_115:4 = scf.for %scan3A_128 = %scan3A_111 to %scan3A_113 step %scan3A_114 iter_args(%scan3A_129 = %scan3A_107, %scan3A_130 = %scan3A_108, %scan3A_131 = %scan3A_109, %scan3A_132 = %scan3A_110) -> (i32, i32, i32, i1)  : i32 {
        %sub3A_133 = arith.constant 15 : i32
        %sub3A_134 = arith.subi %sub3A_133, %scan3A_128 : i32
        %mul3A_135 = arith.constant 16 : i32
        %mul3A_136 = arith.muli %sub3A_134, %mul3A_135 : i32
        %get3A_137 = arith.index_cast %mul3A_136 : i32 to index
        %get3A_138 = tpu.vector_load %arg7[%get3A_137] {strides = array<i32>} : memref<256xi32, #tpu.memory_space<vmem>>, vector<16xi32>,
        %broadcast_in_dim3A_139 = arith.constant true
        %broadcast_in_dim3A_140 = vector.broadcast %broadcast_in_dim3A_139 : i1 to vector<16xi1>
        %masked_cumsum3A = tpu.scan <sum>, %get3A_138 masked %broadcast_in_dim3A_140 : vector<16xi32>, vector<16xi1> -> vector<16xi32>
        %reduce_sum3A_141 = arith.constant true
        %reduce_sum3A_142 = vector.broadcast %reduce_sum3A_141 : i1 to vector<16xi1>
        %reduce_sum3A_143 = tpu.scan <sum>, %get3A_138 masked %reduce_sum3A_142 : vector<16xi32>, vector<16xi1> -> vector<16xi32>
        %reduce_sum3A_144 = vector.extract %reduce_sum3A_143[15] : i32 from vector<16xi32>
        %sub3A_145 = vector.broadcast %reduce_sum3A_144 : i32 to vector<16xi32>
        %sub3A_146 = arith.subi %sub3A_145, %masked_cumsum3A : vector<16xi32>
        %add3A_147 = arith.addi %sub3A_146, %get3A_138 : vector<16xi32>
        %add3A_148 = vector.broadcast %scan3A_129 : i32 to vector<16xi32>
        %add3A_149 = arith.addi %add3A_148, %add3A_147 : vector<16xi32>
        %ge3A = vector.broadcast %sub3A_92 : i32 to vector<16xi32>
        %ge3A_150 = arith.cmpi sge, %add3A_149, %ge3A : vector<16xi32>
        %convert_element_type3A_151 = arith.extui %ge3A_150 : vector<16xi1> to vector<16xi32>
        %reduce_sum3A_152 = arith.constant true
        %reduce_sum3A_153 = vector.broadcast %reduce_sum3A_152 : i1 to vector<16xi1>
        %reduce_sum3A_154 = tpu.scan <sum>, %convert_element_type3A_151 masked %reduce_sum3A_153 : vector<16xi32>, vector<16xi1> -> vector<16xi32>
        %reduce_sum3A_155 = vector.extract %reduce_sum3A_154[15] : i32 from vector<16xi32>
        %not3A = arith.constant true
        %not3A_156 = arith.xori %scan3A_132, %not3A : i1
        %gt3A = arith.constant 0 : i32
        %gt3A_157 = arith.cmpi sgt, %reduce_sum3A_155, %gt3A : i32
        %and3A = arith.andi %not3A_156, %gt3A_157 : i1
        %sub3A_158 = arith.constant 1 : i32
        %sub3A_159 = arith.subi %reduce_sum3A_155, %sub3A_158 : i32
        %eq3A_160 = vector.broadcast %sub3A_159 : i32 to vector<16xi32>
        %eq3A_161 = arith.cmpi eq, %iota3A, %eq3A_160 : vector<16xi32>
        %sub3A_162 = arith.subi %add3A_147, %get3A_138 : vector<16xi32>
        %jit3A_163 = arith.constant 0 : i32
        %broadcast_in_dim3A_164 = vector.broadcast %jit3A_163 : i32 to vector<16xi32>
        %select_n3A_165 = arith.select %eq3A_161, %sub3A_162, %broadcast_in_dim3A_164 : vector<16xi1>, vector<16xi32>
        %reduce_sum3A_166 = arith.constant true
        %reduce_sum3A_167 = vector.broadcast %reduce_sum3A_166 : i1 to vector<16xi1>
        %reduce_sum3A_168 = tpu.scan <sum>, %select_n3A_165 masked %reduce_sum3A_167 : vector<16xi32>, vector<16xi1> -> vector<16xi32>
        %reduce_sum3A_169 = vector.extract %reduce_sum3A_168[15] : i32 from vector<16xi32>
        %mul3A_170 = arith.constant 16 : i32
        %mul3A_171 = arith.muli %sub3A_134, %mul3A_170 : i32
        %add3A_172 = arith.addi %mul3A_171, %reduce_sum3A_155 : i32
        %sub3A_173 = arith.constant 1 : i32
        %sub3A_174 = arith.subi %add3A_172, %sub3A_173 : i32
        %select_n3A_175 = arith.select %and3A, %sub3A_174, %scan3A_130 : i32
        %add3A_176 = arith.addi %scan3A_129, %reduce_sum3A_169 : i32
        %select_n3A_177 = arith.select %and3A, %add3A_176, %scan3A_131 : i32
        %gt3A_178 = arith.constant 0 : i32
        %gt3A_179 = arith.cmpi sgt, %reduce_sum3A_155, %gt3A_178 : i32
        %or3A_180 = arith.ori %scan3A_132, %gt3A_179 : i1
        %add3A_181 = arith.addi %scan3A_129, %reduce_sum3A_144 : i32
        scf.yield %add3A_181, %select_n3A_175, %select_n3A_177, %or3A_180 : i32, i32, i32, i1
      }
      %scan3A_116 = arith.constant 16 : i32
      %shift_left3A_117 = arith.constant 8 : i32
      %shift_left3A_118 = arith.shli %or3A_91, %shift_left3A_117 : i32
      %or3A_119 = arith.ori %shift_left3A_118, %scan3A_115#1 : i32
      %sub3A_120 = arith.subi %sub3A_92, %scan3A_115#2 : i32
      %scan3A_121 = arith.constant 0 : i32
      %scan3A_122 = arith.constant 0 : i32
      %scan3A_123 = arith.constant 256 : i32
      %scan3A_124 = arith.addi %scan3A_122, %scan3A_123 : i32
      %scan3A_125 = arith.constant 1 : i32
      %scan3A_126 = scf.for %scan3A_128 = %scan3A_122 to %scan3A_124 step %scan3A_125 iter_args(%scan3A_129 = %scan3A_121) -> (i32)  : i32 {
        %mul3A_130 = arith.constant 16 : i32
        %mul3A_131 = arith.muli %scan3A_128, %mul3A_130 : i32
        %get3A_132 = arith.index_cast %mul3A_131 : i32 to index
        %get3A_133 = tpu.vector_load %arg5[%get3A_132] {strides = array<i32>} : memref<4096xf32, #tpu.memory_space<vmem>>, vector<16xf32>,
        %bitcast3A = vector.bitcast %get3A_133 : vector<16xf32> to vector<16xi32>
        %ge3A = arith.constant -2147483648 : i32
        %ge3A_134 = vector.broadcast %ge3A : i32 to vector<16xi32>
        %ge3A_135 = arith.cmpi uge, %bitcast3A, %ge3A_134 : vector<16xi32>
        %not3A = arith.constant dense<-1> : vector<16xi32>
        %not3A_136 = arith.xori %bitcast3A, %not3A : vector<16xi32>
        %or3A_137 = arith.constant -2147483648 : i32
        %or3A_138 = vector.broadcast %or3A_137 : i32 to vector<16xi32>
        %or3A_139 = arith.ori %bitcast3A, %or3A_138 : vector<16xi32>
        %select_n3A_140 = arith.select %ge3A_135, %not3A_136, %or3A_139 : vector<16xi1>, vector<16xi32>
        %gt3A = vector.broadcast %or3A_119 : i32 to vector<16xi32>
        %gt3A_141 = arith.cmpi ugt, %select_n3A_140, %gt3A : vector<16xi32>
        %eq3A_142 = vector.broadcast %or3A_119 : i32 to vector<16xi32>
        %eq3A_143 = arith.cmpi eq, %select_n3A_140, %eq3A_142 : vector<16xi32>
        %convert_element_type3A_144 = arith.extui %eq3A_143 : vector<16xi1> to vector<16xi32>
        %broadcast_in_dim3A_145 = arith.constant true
        %broadcast_in_dim3A_146 = vector.broadcast %broadcast_in_dim3A_145 : i1 to vector<16xi1>
        %masked_cumsum3A = tpu.scan <sum>, %convert_element_type3A_144 masked %broadcast_in_dim3A_146 : vector<16xi32>, vector<16xi1> -> vector<16xi32>
        %add3A_147 = vector.broadcast %scan3A_129 : i32 to vector<16xi32>
        %add3A_148 = arith.addi %add3A_147, %masked_cumsum3A : vector<16xi32>
        %le3A = vector.broadcast %sub3A_120 : i32 to vector<16xi32>
        %le3A_149 = arith.cmpi sle, %add3A_148, %le3A : vector<16xi32>
        %and3A = arith.andi %eq3A_143, %le3A_149 : vector<16xi1>
        %or3A_150 = arith.ori %gt3A_141, %and3A : vector<16xi1>
        %convert_element_type3A_151 = arith.extui %or3A_150 : vector<16xi1> to vector<16xi32>
        %mul3A_152 = arith.constant 16 : i32
        %mul3A_153 = arith.muli %scan3A_128, %mul3A_152 : i32
        %swap3A = arith.index_cast %mul3A_153 : i32 to index
        %swap3A_154 = tpu.vector_load %arg8[%swap3A] {strides = array<i32>} : memref<4096xi32, #tpu.memory_space<vmem>>, vector<16xi32>,
        tpu.vector_store %arg8[%swap3A], %convert_element_type3A_151 {strides = array<i32>} : memref<4096xi32, #tpu.memory_space<vmem>>, vector<16xi32>,
        %convert_element_type3A_155 = arith.extui %eq3A_143 : vector<16xi1> to vector<16xi32>
        %reduce_sum3A_156 = arith.constant true
        %reduce_sum3A_157 = vector.broadcast %reduce_sum3A_156 : i1 to vector<16xi1>
        %reduce_sum3A_158 = tpu.scan <sum>, %convert_element_type3A_155 masked %reduce_sum3A_157 : vector<16xi32>, vector<16xi1> -> vector<16xi32>
        %reduce_sum3A_159 = vector.extract %reduce_sum3A_158[15] : i32 from vector<16xi32>
        %add3A_160 = arith.addi %scan3A_129, %reduce_sum3A_159 : i32
        scf.yield %add3A_160 : i32
      }
      %scan3A_127 = arith.constant 256 : i32
      "tpu.region"() ({
        %run_scoped3A = tpu.sem_alloc : memref<!tpu.dma_semaphore, #tpu.memory_space<semaphore_mem>>
        %dma_start3A = arith.constant 0 : i32
        %dma_start3A_128 = tpu.memref_slice %arg4[%add3A, %dma_start3A] : memref<4x4096xi32, #tpu.memory_space<hbm>> -> memref<1x4096xi32, #tpu.memory_space<hbm>>
        %dma_start3A_129 = tpu.memref_squeeze %dma_start3A_128 : memref<1x4096xi32, #tpu.memory_space<hbm>> -> memref<4096xi32, #tpu.memory_space<hbm>>
        %dma_start3A_130 = arith.constant 0 : i32
        %dma_start3A_131 = tpu.memref_slice %arg4[%add3A, %dma_start3A_130] : memref<4x4096xi32, #tpu.memory_space<hbm>> -> memref<1x4096xi32, #tpu.memory_space<hbm>>
        %dma_start3A_132 = tpu.memref_squeeze %dma_start3A_131 : memref<1x4096xi32, #tpu.memory_space<hbm>> -> memref<4096xi32, #tpu.memory_space<hbm>>
        tpu.enqueue_dma source(%arg8 : memref<4096xi32, #tpu.memory_space<vmem>>) target(%dma_start3A_132 : memref<4096xi32, #tpu.memory_space<hbm>>) target_semaphore(%run_scoped3A : memref<!tpu.dma_semaphore, #tpu.memory_space<semaphore_mem>>)
        %dma_wait3A = arith.constant 0 : i32
        %dma_wait3A_133 = tpu.memref_slice %arg4[%add3A, %dma_wait3A] : memref<4x4096xi32, #tpu.memory_space<hbm>> -> memref<1x4096xi32, #tpu.memory_space<hbm>>
        %dma_wait3A_134 = tpu.memref_squeeze %dma_wait3A_133 : memref<1x4096xi32, #tpu.memory_space<hbm>> -> memref<4096xi32, #tpu.memory_space<hbm>>
        %dma_wait3A_135 = arith.constant 0 : i32
        %dma_wait3A_136 = tpu.memref_slice %arg4[%add3A, %dma_wait3A_135] : memref<4x4096xi32, #tpu.memory_space<hbm>> -> memref<1x4096xi32, #tpu.memory_space<hbm>>
        %dma_wait3A_137 = tpu.memref_squeeze %dma_wait3A_136 : memref<1x4096xi32, #tpu.memory_space<hbm>> -> memref<4096xi32, #tpu.memory_space<hbm>>
        tpu.wait_dma2 semaphore(%run_scoped3A : memref<!tpu.dma_semaphore, #tpu.memory_space<semaphore_mem>>) src(%arg8 : memref<4096xi32, #tpu.memory_space<vmem>>) dst(%dma_wait3A_137 : memref<4096xi32, #tpu.memory_space<hbm>>)
        tpu.yield
      }) : () -> ()
    } else {
    }
    return
  }
}

module attributes {stable_mosaic.version = 14 : i64} {
  func.func @_scan_body(%arg0: i32, %arg1: memref<1xf32, #tpu.memory_space<smem>>, %arg2: memref<512x4096xf32, #tpu.memory_space<vmem>>, %arg3: memref<1x4096xf32, #tpu.memory_space<vmem>>, %arg4: memref<1x1x512xf32, #tpu.memory_space<vmem>>) attributes {dimension_semantics = [#tpu.dimension_semantics<arbitrary>], iteration_bounds = array<i64: 32>, scalar_prefetch = 0 : i64, scratch_operands = 0 : i64, tpu.core_type = #tpu.core_type<tc>, window_params = [{transform_indices = @transform_0, window_bounds = array<i64: 1>}, {transform_indices = @transform_1, window_bounds = array<i64: 512, 4096>}, {pipeline_mode = #tpu.pipeline_mode<synchronous>, transform_indices = @transform_2, window_bounds = array<i64: 1, 4096>}, {transform_indices = @transform_3, window_bounds = array<i64: 1, 1, 512>}]} {
    %get3A = arith.constant 0 : index
    %get3A_0 = arith.constant 0 : index
    %get3A_1 = vector.load %arg3[%get3A, %get3A_0] : memref<1x4096xf32, #tpu.memory_space<vmem>>, vector<1x4096xf32>
    %get3A_2 = arith.constant 0 : index
    %get3A_3 = arith.constant 0 : index
    %get3A_4 = vector.load %arg2[%get3A_2, %get3A_3] : memref<512x4096xf32, #tpu.memory_space<vmem>>, vector<512x4096xf32>
    %dot_general3A = arith.constant dense<0.000000e+00> : vector<1x512xf32>
    %dot_general3A_5 = tpu.matmul %get3A_1, %get3A_4, %dot_general3A {dimension_numbers = #tpu.dot_dimension_numbers<[1], [1], [0], [0], [0, 0, 1, 0], [], []>, transpose_lhs_hint = false} : vector<1x4096xf32>, vector<512x4096xf32>, vector<1x512xf32> -> vector<1x512xf32>
    %get3A_6 = arith.constant 0 : index
    %get3A_7 = memref.load %arg1[%get3A_6] : memref<1xf32, #tpu.memory_space<smem>>
    %add3A = vector.broadcast %get3A_7 : f32 to vector<1x512xf32>
    %add3A_8 = arith.addf %dot_general3A_5, %add3A : vector<1x512xf32>
    %swap3A = arith.constant 0 : index
    %swap3A_9 = arith.constant 0 : index
    %swap3A_10 = arith.constant 0 : index
    %swap3A_11 = vector.load %arg4[%swap3A, %swap3A_9, %swap3A_10] : memref<1x1x512xf32, #tpu.memory_space<vmem>>, vector<1x1x512xf32>
    %swap3A_12 = vector.shape_cast %swap3A_11 : vector<1x1x512xf32> to vector<1x512xf32>
    %swap3A_13 = vector.shape_cast %add3A_8 : vector<1x512xf32> to vector<1x1x512xf32>
    tpu.vector_store %arg4[%swap3A, %swap3A_9, %swap3A_10], %swap3A_13 {strides = array<i32>} : memref<1x1x512xf32, #tpu.memory_space<vmem>>, vector<1x1x512xf32>,
    return
  }
  func.func @transform_0(%arg0: i32) -> i32 {
    %c0_i32 = arith.constant 0 : i32
    %c0_i32_0 = arith.constant 0 : i32
    return %c0_i32 : i32
  }
  func.func @transform_1(%arg0: i32) -> (i32, i32) {
    %c0_i32 = arith.constant 0 : i32
    %c0_i32_0 = arith.constant 0 : i32
    return %arg0, %c0_i32 : i32, i32
  }
  func.func @transform_2(%arg0: i32) -> (i32, i32) {
    %c0_i32 = arith.constant 0 : i32
    %c0_i32_0 = arith.constant 0 : i32
    %c0_i32_1 = arith.constant 0 : i32
    return %c0_i32, %c0_i32_0 : i32, i32
  }
  func.func @transform_3(%arg0: i32) -> (i32, i32, i32) {
    %c0_i32 = arith.constant 0 : i32
    %c0_i32_0 = arith.constant 0 : i32
    %c0_i32_1 = arith.constant 0 : i32
    return %arg0, %c0_i32, %c0_i32_0 : i32, i32, i32
  }
}

</mosaic_0001>

<sc_bundles>
// kernel: kernel.4.cloned.1.call-start
scs
__scs_entry_jumppad:
0x0: {  	(pc) =	sbr.rel $0x88, $3  }
0x1: {  	(tag) =	ssettag $0x0;
	lr =	simm.s32 $0x1  }
0x2: {  	[smem:$0x3F9D] =	sst lr;
	_ =	strace $0xD0000000  }
0x3: {  	_ = 	snop  }
0x4: {  	_ = 	snop  }
0x5: {  	_ = 	snop  }
0x6: {  	_ = 	snop  }
0x7: {  	_ = 	snop  }
__scs_overlays_trampoline_lowered:
0x8: {  	[smem:$0x3FAC] =	sst s0  }
0x9: {  	[smem:$0x3FAD] =	sst s1  }
0xa: {  	[smem:$0x3FAE] =	sst s2  }
0xb: {  	[smem:$0x3FAF] =	sst s3  }
0xc: {  	[smem:$0x3FB0] =	sst s4  }
0xd: {  	[smem:$0x3FB1] =	sst s5  }
0xe: {  	[smem:$0x3FB2] =	sst s6  }
0xf: {  	[smem:$0x3FB3] =	sst s7  }
0x10: {  	[smem:$0x3FB4] =	sst s8  }
0x11: {  	[smem:$0x3FB5] =	sst s9;
	s0 =	simm.s32 @!p0 $0x0  }
0x12: {  	s1 =	sld [smem:$0x3F9B];
	s0 =	simm.s32 @p0 $0x1  }
0x13: {  	[smem:$0x3FB6] =	sst s0;
	s0 =	simm.s32 @!p1 $0x0  }
0x14: {  	s2 =	sld [smem:$0x3F9A];
	s0 =	simm.s32 @p1 $0x1  }
0x15: {  	[smem:$0x3FB7] =	sst s0;
	s0 =	simm.s32 @!p2 $0x0  }
0x16: {  	s3 =	sld [smem:$0x3FDB];
	s0 =	simm.s32 @p2 $0x1  }
0x17: {  	s4 =	simm.s32 $0x1BF5;
	[smem:$0x3FB9] =	sst s0  }
0x18: {  	s0 =	sld [smem:$0x3F9C];
	_ =	swait.ge [sflag:s4], $0x0  }
0x19: {  	s7 =	sld [smem:$0x3F9D]  }
0x1a: {  	s8 =	sadd.s32 $0xFFFFE003, lr  }
0x1b: {  	s9 =	sadd.s32 $0xFFFFFEF7, lr;
	s5 =	simm.s32 $0xFFFFFFFF;
	p2 =	slt.u32 s8, $0xFFFFF086  }
0x1c: {  	p1 =	slt.u32 s9, $0xF7A;
	s5 =	simm.s32 @!p2 $0x0  }
0x1d: {  	s5 =	simm.s32 @p1 $0x1;
	p0 =	seq.s32 s7, s2  }
0x1e: {  	s7 =	smul.u32 @!p0 $0xF7A, s2;
	p2 =	seq.s32 @!p0 s5, $0x0  }
0x1f: {  	s9 =	smul.u32 $0xF7A, s1;
	s8 =	simm.s32 @!p0 $0x1BF5;
	p2 =	por !p2, p0  }
0x20: {  	[sflag:s8] =	ssyncset.s32 @!p0 $0xFFFFF086;
	s6 =	sadd.s32 @!p0 s3, s7;
	s7 =	simm.s32 @!p0 $0x108  }
0x21: {  	s3 =	sadd.s32 s3, s9;
	s6 =	sadd.s32 @!p0 $0x88, s6;
	s7 =	simm.s32 @p2 $0x1082  }
0x22: {  	[simem:s7], [sflag:s8] =	dma.local @!p0 [hbm:s6], $0xF7A  }
0x23: {  	s9 =	sor.u32 $0xD0000000, s2;
	s6 =	simm.s32 $0x108;
	_ =	swait.ge @!p0 [sflag:s8], $0x0  }
0x24: {  	s3 =	sadd.s32 $0x88, s3;
	s6 =	simm.s32 @!p1 $0x1082;
	[sflag:s4] =	ssyncset.s32 $0xFFFFF086  }
0x25: {  	[simem:s6], [sflag:s4] =	dma.local [hbm:s3], $0xF7A  }
0x26: {  	[smem:$0x3F9D] =	sst s1;
	(tag) =	ssettag s2;
	_ =	strace s9  }
0x27: {  	s1 =	sld [smem:$0x3FAD]  }
0x28: {  	s2 =	sld [smem:$0x3FAE]  }
0x29: {  	s4 =	sld [smem:$0x3FB0]  }
0x2a: {  	p0 =	seq.s32 s5, $0x0;
	s5 =	sld [smem:$0x3FB1]  }
0x2b: {  	s6 =	sld [smem:$0x3FB2]  }
0x2c: {  	s7 =	sld [smem:$0x3FB3]  }
0x2d: {  	s3 =	simm.s32 $0x108;
	s8 =	sld [smem:$0x3FB4]  }
0x2e: {  	s3 =	simm.s32 @!p0 $0x1082;
	s9 =	sld [smem:$0x3FB5]  }
0x2f: {  	lr =	sadd.s32 s0, s3;
	s0 =	sld [smem:$0x3FAC]  }
0x30: {  	s3 =	sld [smem:$0x3FAF]  }
0x31: {  	[smem:$0x3FB8] =	sst s10  }
0x32: {  	s10 =	sld [smem:$0x3FB6];
	_ =	sdelay $0x3  }
0x33: {  	p0 =	seq.s32 s10, $0x1;
	s10 =	sld [smem:$0x3FB8];
	_ =	sdelay $0x3  }
0x34: {  	[smem:$0x3FB8] =	sst s10  }
0x35: {  	s10 =	sld [smem:$0x3FB7];
	_ =	sdelay $0x3  }
0x36: {  	p1 =	seq.s32 s10, $0x1;
	s10 =	sld [smem:$0x3FB8];
	_ =	sdelay $0x3  }
0x37: {  	[smem:$0x3FB8] =	sst s10  }
0x38: {  	s10 =	sld [smem:$0x3FB9]  }
0x39: {  	_ = 	snop;
	(pc) =	sbr.ind lr, $3  }
0x3a: {  	_ = 	snop  }
0x3b: {  	_ = 	snop  }
0x3c: {  	p2 =	seq.s32 s10, $0x1;
	s10 =	sld [smem:$0x3FB8]  }
0x3d: {  	_ =	shalt  }
0x3e: {  	_ =	shalt  }
0x3f: {  	_ =	shalt  }
0x40: {  	_ =	shalt  }
0x41: {  	_ =	shalt  }
0x42: {  	_ =	shalt  }
0x43: {  	_ =	shalt  }
0x44: {  	_ =	shalt  }
0x45: {  	_ =	shalt  }
0x46: {  	_ =	shalt  }
0x47: {  	_ =	shalt  }
0x48: {  	_ =	shalt  }
0x49: {  	_ =	shalt  }
0x4a: {  	_ =	shalt  }
0x4b: {  	_ =	shalt  }
0x4c: {  	_ =	shalt  }
0x4d: {  	_ =	shalt  }
0x4e: {  	_ =	shalt  }
0x4f: {  	_ =	shalt  }
0x50: {  	_ =	shalt  }
0x51: {  	_ =	shalt  }
0x52: {  	_ =	shalt  }
0x53: {  	_ =	shalt  }
0x54: {  	_ =	shalt  }
0x55: {  	_ =	shalt  }
0x56: {  	_ =	shalt  }
0x57: {  	_ =	shalt  }
0x58: {  	_ =	shalt  }
0x59: {  	_ =	shalt  }
0x5a: {  	_ =	shalt  }
0x5b: {  	_ =	shalt  }
0x5c: {  	_ =	shalt  }
0x5d: {  	_ =	shalt  }
0x5e: {  	_ =	shalt  }
0x5f: {  	_ =	shalt  }
0x60: {  	_ =	shalt  }
0x61: {  	_ =	shalt  }
0x62: {  	_ =	shalt  }
0x63: {  	_ =	shalt  }
0x64: {  	_ =	shalt  }
0x65: {  	_ =	shalt  }
0x66: {  	_ =	shalt  }
0x67: {  	_ =	shalt  }
0x68: {  	_ =	shalt  }
0x69: {  	_ =	shalt  }
0x6a: {  	_ =	shalt  }
0x6b: {  	_ =	shalt  }
0x6c: {  	_ =	shalt  }
0x6d: {  	_ =	shalt  }
0x6e: {  	_ =	shalt  }
0x6f: {  	_ =	shalt  }
0x70: {  	_ =	shalt  }
0x71: {  	_ =	shalt  }
0x72: {  	_ =	shalt  }
0x73: {  	_ =	shalt  }
0x74: {  	_ =	shalt  }
0x75: {  	_ =	shalt  }
0x76: {  	_ =	shalt  }
0x77: {  	_ =	shalt  }
0x78: {  	_ =	shalt  }
0x79: {  	_ =	shalt  }
0x7a: {  	_ =	shalt  }
0x7b: {  	_ =	shalt  }
0x7c: {  	_ =	shalt  }
0x7d: {  	_ =	shalt  }
0x7e: {  	_ =	shalt  }
0x7f: {  	_ =	shalt  }
0x80: {  	_ =	shalt  }
0x81: {  	_ =	shalt  }
0x82: {  	_ =	shalt  }
0x83: {  	_ =	shalt  }
0x84: {  	_ =	shalt  }
0x85: {  	_ =	shalt  }
0x86: {  	_ =	shalt  }
0x87: {  	_ =	shalt  }
.Lfunc_end0:
.L_simem_size_0:
called_computation_lowered:
.L_overlay_start_0:
0x88: {  	s2 =	sld [smem:$0x3FD9]  }
0x89: {  	s3 =	sld [smem:$0x3FFE];
	_ =	sdelay $0x1  }
0x8a: {  	s1 =	srdreg.scid  }
0x8b: {  	s0 =	sand.u32 $0x1, s1  }
0x8c: {  	s14 =	sshll.u32 s0, $0xA;
	s2 =	sadd.s32 s3, s2  }
0x8d: {  	s2 =	sadd.s32 s2, s14  }
0x8e: {  	[smem:$0x3FC4] =	sst s2  }
0x8f: {  	_ = 	snop  }
0x90: {  	s2 =	sld [smem:$0x3FD0];
	_ =	sdelay $0x2  }
0x91: {  	s15 =	simm.s32 $0xA;
	s4 =	simm.s32 $0x10  }
0x92: {  	[smem:s4], [sflag:s15] =	dma.local [hbm:s2], $0x1  }
0x93: {  	_ =	swait.eq [sflag:s15], $0x1  }
0x94: {  	[sflag:s15] =	ssyncset.done $0x0  }
0x95: {  	s16 =	sld [smem:$0x10];
	[sflag:s15] =	ssyncadd.s32 $0xFFFFFFFF  }
0x96: {  	s17 =	sld [smem:$0x11];
	(tm) =	ssettm $0x1  }
0x97: {  	s18 =	sld [smem:$0x3FFB];
	_ =	sdelay $0x3  }
0x98: {  	_ =	strace s18  }
0x99: {  	s4 =	sld [smem:$0x3FFC];
	_ =	sdelay $0x3  }
0x9a: {  	_ =	strace s4  }
0x9b: {  	s4 =	sld [smem:$0x3FFD];
	_ =	sdelay $0x3  }
0x9c: {  	_ =	strace s4  }
0x9d: {  	_ =	strace $0x8FFFFFFF  }
0x9e: {  	s19 =	sld [smem:$0x3FDB];
	_ =	sdelay $0x1  }
0x9f: {  	s5 =	simm.s32 $_scs_section_size  }
0xa0: {  	s6 =	simm.s32 $_size__tile_overlayer_lowered;
	s7 =	simm.s32 $_tile_overlayer_lowered  }
0xa1: {  	s22 =	simm.s32 $0x1BFF;
	s21 =	sshll.u32 s7, $0x1;
	s4 =	sadd.s32 s5, s19  }
0xa2: {  	s8 =	simm.s32 $0x0;
	s20 =	sshll.u32 s6, $0x1;
	s6 =	sadd.s32 s21, s4  }
0xa3: {  	[timem:s8], [sflag:s22] =	dma.local [hbm:s6], s20  }
0xa4: {  	_ =	swait.ge [sflag:s22], s20  }
0xa5: {  	s5 =	ssub.s32 $0x0, s20;
	[sflag:s22] =	ssyncset.done $0x0  }
0xa6: {  	[sflag:s22] =	ssyncadd.s32 s5;
	_ =	sdelay $0x1  }
0xa7: {  	s23 =	simm.s32 $0x1B8B  }
0xa8: {  	_ =	swait.ge [sflag:s23], $0x1  }
0xa9: {  	[sflag:s23] =	ssyncset.done $0x0  }
0xaa: {  	s25 =	simm.s32 $0x1B8E;
	s24 =	sld [smem:$0x3FFE];
	[sflag:s23] =	ssyncadd.s32 $0xFFFFFFFF  }
0xab: {  	s26 =	simm.s32 $execute0_lowered;
	[smem:$0x3FD2] =	sst s25  }
0xac: {  	s6 =	sshll.u32 s26, $0x1;
	_ =	strace $0x80000046;
	[dreg:$0x1] =	wrdreg $0xFFFFFFFF  }
0xad: {  	s28 =	simm.s32 $_size_execute0_lowered;
	s4 =	sadd.s32 s4, s6;
	[dreg:$0x0] =	wrdreg $0x0  }
0xae: {  	s6 =	sshll.u32 s28, $0x1;
	[dreg:$0x2] =	wrdreg s4  }
0xaf: {  	[dreg:$0x3] =	wrdreg s6  }
0xb0: {  	[dreg:$0x4] =	wrdreg $0xC0  }
0xb1: {  	_ =	task [dreg:s8], $0x5FFFF  }
0xb2: {  	[dreg:$0x1] =	wrdreg $0xFFFFFFFF  }
0xb3: {  	[dreg:$0x0] =	wrdreg $0x60  }
0xb4: {  	[dreg:$0x2] =	wrdreg s17  }
0xb5: {  	[dreg:$0x3] =	wrdreg s16  }
0xb6: {  	[dreg:$0x4] =	wrdreg s24  }
0xb7: {  	[dreg:$0x5] =	wrdreg $0x9  }
0xb8: {  	_ =	task.clear_ibuf [dreg:s8], $0x6FFFF;
	_ =	strace $0x90000046  }
0xb9: {  	s29 =	simm.s32 $0x9;
	_ =	strace $0x80000048  }
0xba: {  	_ =	swait.ge [sflag:s29], $0x1  }
0xbb: {  	[sflag:s29] =	ssyncadd.s32 $0xFFFFFFFF  }
0xbc: {  	_ =	strace $0x90000048  }
0xbd: {  	_ =	sfence  }
0xbe: {  	s30 =	sld [smem:$0x0];
	_ =	sdelay $0x2  }
0xbf: {  	s31 =	sshll.u32 s1, $0xD;
	s1 =	sshrl.u32 s1, $0x2  }
0xc0: {  	s3 =	sand.u32 $0x4000, s31;
	s1 =	sadd.s32 s1, s30  }
0xc1: {  	s0 =	sor.u32 s3, s0;
	s1 =	sshll.u32 s1, $0x11  }
0xc2: {  	s0 =	sor.u32 s1, s0  }
0xc3: {  	s0 =	sadd.s32 $0x8F2B, s0  }
0xc4: {  	[sflag:s0] =	ssyncadd.remote.s32 $0x1  }
0xc5: {  	_ =	sfence.sel $0xFFFF  }
0xc6: {  	[dreg:$0x0] =	wrdreg $0xFFFFFFFF;
	(pc) =	sbr.abs _section_cstart, $3  }
0xc7: {  	[dreg:$0x1] =	wrdreg $0xFFFFFFFF  }
0xc8: {  	_ =	task.clear_ibuf [dreg:s8], $0x2FFFF;
	_ =	strace $0x9FFFFFFF  }
0xc9: {  	(tm) =	ssettm $0x7FFFFFFF  }
tec
execute0_lowered:
.L_overlay_start_1:
0x0: {  	(tag) =	ssettag $0x1  }
0x1: {  	s2 =	stileid.u32  }
0x2: {  	p0 =	sgt.u32 s2, $0x1  }
.Ltmp0:
0x3: {  	_ = 	snop;
	(pc) =	sbr.rel @p0 .LBB2_21-.Ltmp0, $4  }
0x4: {  	_ = 	snop  }
0x5: {  	s0 =	rddreg [dreg:$0x0];
	s7 =	simm.s32 $0x0  }
0x6: {  	[smem:$0x7FF] =	sst s7  }
0x7: {  	s1 =	rddreg [dreg:$0x2];
	_ =	strace $0x80000047  }
0x8: {  	s2 =	srdreg.scid;
	s3 =	stileid.u32  }
0x9: {  	s2 =	sand.u32 $0x1, s2;
	s4 =	sshll.u32 s3, $0x1  }
0xa: {  	s4 =	sor.u32 s2, s4  }
0xb: {  	s11 =	simm.s32 $0x1080;
	s2 =	ssub.s32 $0x2, s2;
	s5 =	sshll.u32 s4, $0x4  }
0xc: {  	s6 =	sshrl.u32 s2, $0x1;
	s1 =	sadd.s32 s5, s1;
	s0 =	sadd.s32 s0, s5  }
0xd: {  	s2 =	ssub.s32 s2, s6;
	s1 =	sadd.s32 $0x200, s1;
	[dreg:$0x6] =	wrdreg s0  }
0xe: {  	v0 =	vlaneseq.u32;
	s3 =	simm.s32 $0x200;
	v3 =	vmov s4;
	s31 =	smax.u32 s2, $0x1;
	[dreg:$0x5] =	wrdreg s1  }
0xf: {  	v1 =	vimm.s32 $0x0;
	v2 =	vimm.s32 $0x1;
	s4 =	simm.s32 $0x1;
	vm0 =	veq.s32 v3, v0;
	s2 =	simm.s32 $0x80;
	[dreg:$0x7] =	wrdreg s31  }
.LBB2_2:
0x10: {  	s0 =	simm.s32 $0x0;
	s1 =	rddreg [dreg:$0x6]  }
0x11: {  	[tilespmem:s0], [sflag:$0x1] =	stream.strided.gather [hbm4b:s1+s2], $0x1000, s3, s2, $0x38;
	[tilespmem:$0x2180] =	vst v63  }
0x12: {  	_ =	swait.ge [sflag:s4], $0x1000  }
0x13: {  	[sflag:s4] =	ssyncset.done $0x0  }
0x14: {  	[sflag:s4] =	ssyncadd.s32 $0xFFFFF000  }
0x15: {  	s31 =	simm.s32 $0x1000;
	s30 =	rddreg [dreg:$0x1]  }
0x16: {  	[tilespmem:s31], [sflag:$0x1] =	stream.linear.gather [hbm4b:s30+s0], $0x80, $0x38;
	[tilespmem:$0x2180] =	vst v63  }
0x17: {  	_ =	swait.ge [sflag:s4], $0x80  }
0x18: {  	[sflag:s4] =	ssyncset.done $0x0  }
0x19: {  	[sflag:s4] =	ssyncadd.s32 $0xFFFFFF80  }
0x1a: {  	[tilespmem:$0x1080] =	vst v1  }
0x1b: {  	[tilespmem:$0x1090] =	vst v1  }
0x1c: {  	[tilespmem:$0x10A0] =	vst v1  }
0x1d: {  	[tilespmem:$0x10B0] =	vst v1  }
0x1e: {  	[tilespmem:$0x10C0] =	vst v1  }
0x1f: {  	[tilespmem:$0x10D0] =	vst v1  }
0x20: {  	[tilespmem:$0x10E0] =	vst v1  }
0x21: {  	[tilespmem:$0x10F0] =	vst v1  }
0x22: {  	[tilespmem:$0x1100] =	vst v1  }
0x23: {  	[tilespmem:$0x1110] =	vst v1  }
0x24: {  	[tilespmem:$0x1120] =	vst v1  }
0x25: {  	[tilespmem:$0x1130] =	vst v1  }
0x26: {  	[tilespmem:$0x1140] =	vst v1  }
0x27: {  	[tilespmem:$0x1150] =	vst v1  }
0x28: {  	[tilespmem:$0x1160] =	vst v1  }
0x29: {  	s1 =	simm.s32 $0x0;
	s0 =	simm.s32 $0x40;
	v3 =	vld [tilespmem:$0x1000];
	[tilespmem:$0x1170] =	vst v1  }
.LBB2_3:
0x2a: {  	p0 =	seq.s32 s0, $0x3FC0;
	v4 =	vld [tilespmem:s1+$0x0];
	_ =	sdelay $0x4  }
0x2b: {  	vm1 =	vlt.s32 v4, $0x0;
	v5 =	vxor.u32 $0xFFFFFFFF, v4;
	v4 =	vor.u32 $0x80000000, v4  }
0x2c: {  	v4 =	vsel vm1, v5, v4  }
0x2d: {  	v4 =	vshrl.u32 v4, $0x18  }
.Ltmp1:
0x2e: {  	(pc) =	sbr.rel @!p0 .LBB2_3-.Ltmp1, $2  }
0x2f: {  	_ =	sdelay $0x2  }
0x30: {  	s1 =	sshra.s32 s0, $0x2;
	s0 =	sadd.s32 $0x40, s0;
	[tilespmem:v4+s11+$0x0] =	vst.idx.add.s32.msk $0xffff, v2  }
0x31: {  	v4 =	vld [tilespmem:s1+$0x0];
	_ =	sdelay $0x4  }
0x32: {  	vm1 =	vlt.s32 v4, $0x0;
	v5 =	vxor.u32 $0xFFFFFFFF, v4;
	v4 =	vor.u32 $0x80000000, v4  }
0x33: {  	v4 =	vsel vm1, v5, v4  }
0x34: {  	v4 =	vshrl.u32 v4, $0x18;
	_ =	sdelay $0x4  }
0x35: {  	s0 =	simm.s32 $0x1170;
	[tilespmem:v4+s11+$0x0] =	vst.idx.add.s32.msk $0xffff, v2  }
0x36: {  	v5 =	vld [tilespmem:s0+$0x0];
	_ =	sdelay $0x2  }
0x37: {  	v3 =	vnsel vm0, $0x0, v3  }
0x38: {  	(xrf0) =	vadd.scan.msk.s32 $0xffff, v3  }
0x39: {  	(xrf0) =	vadd.scan.msk.s32 $0xffff, v5  }
0x3a: {  	s6 =	simm.s32 $0x1160  }
0x3b: {  	v6 =	vld [tilespmem:s6+$0x0];
	_ =	sdelay $0x2  }
0x3c: {  	v3, _, _ =	vpop (xrf0)  }
0x3d: {  	v7, _, _ =	vpop (xrf0)  }
0x3e: {  	(xrf0) =	vadd.scan.msk.s32 $0xffff, v6;
	v8 =	vbroadcast v7, $0xF  }
0x3f: {  	s14 =	simm.s32 $0x0;
	(v2sf) =	vpush v7, $0xF  }
0x40: {  	v5 =	vadd.s32 s14, v5;
	v7 =	vsub.s32 v8, v7  }
0x41: {  	v5 =	vadd.s32 v7, v5  }
0x42: {  	v4 =	vbroadcast v3, $0xF;
	_ =	sdelay $0x1  }
0x43: {  	[dreg:$0x4] =	wrdreg s7;
	s7 =	simm.s32 $0x1150;
	vm1 =	vge.s32 v5, v4;
	v5, _, _ =	vpop (xrf0)  }
0x44: {  	v8 =	vld [tilespmem:s7+$0x0];
	(v2sf) =	vpush v5, $0xF;
	_ =	sdelay $0x2  }
0x45: {  	v9 =	vsel vm1, $0x1, v1  }
0x46: {  	(xrf0) =	vadd.scan.msk.s32 $0xffff, v9  }
0x47: {  	(xrf0) =	vadd.scan.msk.s32 $0xffff, v8;
	_ =	sdelay $0x3  }
0x48: {  	v10 =	vbroadcast v5, $0xF;
	s8 =	spop (v2sf)  }
0x49: {  	v9, _, _ =	vpop (xrf0);
	s15 =	sadd.s32 $0x0, s8  }
0x4a: {  	v10 =	vsub.s32 v10, v5;
	(v2sf) =	vpush v9, $0xF;
	v9, _, _ =	vpop (xrf0);
	v5 =	vadd.s32 s15, v6  }
0x4b: {  	s9 =	simm.s32 $0x1140;
	(v2sf) =	vpush v9, $0xF;
	v5 =	vadd.s32 v10, v5  }
0x4c: {  	v6 =	vld [tilespmem:s9+$0x0];
	vm1 =	vge.s32 v5, v4  }
0x4d: {  	v5 =	vsel vm1, $0x1, v1  }
0x4e: {  	(xrf0) =	vadd.scan.msk.s32 $0xffff, v5;
	v5 =	vbroadcast v9, $0xF;
	s10 =	spop (v2sf)  }
0x4f: {  	s16 =	sadd.s32 s15, s10  }
0x50: {  	v11 =	vsub.s32 v5, v9;
	v5 =	vadd.s32 s16, v8  }
0x51: {  	(xrf0) =	vadd.scan.msk.s32 $0xffff, v6;
	v5 =	vadd.s32 v11, v5;
	_ =	sdelay $0x2  }
0x52: {  	s12 =	simm.s32 $0x1130;
	vm1 =	vge.s32 v5, v4;
	v5, _, _ =	vpop (xrf0)  }
0x53: {  	v8 =	vld [tilespmem:s12+$0x0];
	(v2sf) =	vpush v5, $0xF;
	_ =	sdelay $0x1  }
0x54: {  	v5, _, _ =	vpop (xrf0)  }
0x55: {  	v9 =	vsel vm1, $0x1, v1;
	(v2sf) =	vpush v5, $0xF  }
0x56: {  	(xrf0) =	vadd.scan.msk.s32 $0xffff, v9;
	s13 =	spop (v2sf)  }
0x57: {  	(xrf0) =	vadd.scan.msk.s32 $0xffff, v8;
	s2 =	spop (v2sf);
	v9 =	vbroadcast v5, $0xF  }
0x58: {  	s18 =	sadd.s32 $0xFFFFFFFF, s13;
	s17 =	sadd.s32 s16, s2  }
0x59: {  	v12 =	vmov s18;
	v6 =	vadd.s32 s17, v6;
	v5 =	vsub.s32 v9, v5  }
0x5a: {  	vm1 =	veq.s32 v12, v0;
	v6 =	vadd.s32 v5, v6  }
0x5b: {  	v7 =	vnsel vm1, $0x0, v7;
	vm1 =	vge.s32 v6, v4  }
0x5c: {  	(xrf0) =	vadd.scan.msk.s32 $0xffff, v7;
	v9, _, _ =	vpop (xrf0);
	v7 =	vsel vm1, $0x1, v1  }
0x5d: {  	s19 =	simm.s32 $0x1120;
	(v2sf) =	vpush v9, $0xF;
	v6, _, _ =	vpop (xrf0);
	(xrf0) =	vadd.scan.msk.s32 $0xffff, v7  }
0x5e: {  	v9 =	vld [tilespmem:s19+$0x0];
	_ =	sdelay $0x2  }
0x5f: {  	s23 =	spop (v2sf)  }
0x60: {  	(v2sf) =	vpush v6, $0xF;
	v7, _, _ =	vpop (xrf0);
	s21 =	sadd.s32 $0xFFFFFFFF, s23  }
0x61: {  	(v2sf) =	vpush v7, $0xF;
	v7, _, _ =	vpop (xrf0);
	(xrf0) =	vadd.scan.msk.s32 $0xffff, v9;
	v61 =	vmov s21  }
0x62: {  	(v2sf) =	vpush v7, $0xF;
	v7 =	vbroadcast v6, $0xF;
	s20 =	spop (v2sf);
	vm1 =	veq.s32 v61, v0  }
0x63: {  	s19 =	sadd.s32 s17, s20;
	v10 =	vnsel vm1, $0x0, v10  }
0x64: {  	v6 =	vsub.s32 v7, v6;
	v7 =	vadd.s32 s19, v8;
	(xrf0) =	vadd.scan.msk.s32 $0xffff, v10  }
0x65: {  	v7 =	vadd.s32 v6, v7  }
0x66: {  	s22 =	simm.s32 $0x1110;
	vm1 =	vge.s32 v7, v4  }
0x67: {  	v8 =	vld [tilespmem:s22+$0x0];
	v7 =	vsel vm1, $0x1, v1;
	v10, _, _ =	vpop (xrf0)  }
0x68: {  	(xrf0) =	vadd.scan.msk.s32 $0xffff, v7;
	v7 =	vbroadcast v10, $0xF;
	_ =	sdelay $0x1  }
0x69: {  	s25 =	spop (v2sf);
	(v2sf) =	vpush v10, $0xF;
	v7 =	vsub.s32 v7, v10;
	v10, _, _ =	vpop (xrf0)  }
0x6a: {  	(v2sf) =	vpush v10, $0xF  }
0x6b: {  	(xrf0) =	vadd.scan.msk.s32 $0xffff, v8;
	_ =	sdelay $0x2  }
0x6c: {  	s30 =	sadd.s32 $0xFFFFFFFF, s25  }
0x6d: {  	p0 =	por $0x0, $0x0;
	s1 =	simm.s32 $0x1100;
	s24 =	spop (v2sf);
	v62 =	vmov s30  }
0x6e: {  	p2 =	por !p0, !p0;
	p1 =	sgt.s32 s13, $0x0;
	s18 =	sadd.s32 s19, s24;
	vm1 =	veq.s32 v62, v0;
	v10, _, _ =	vpop (xrf0)  }
0x6f: {  	s26 =	simm.s32 $0xBF;
	p2 =	por !p1, !p2;
	v13 =	vadd.s32 s18, v9;
	v9 =	vld [tilespmem:s1+$0x0];
	v11 =	vnsel vm1, $0x0, v11;
	(v2sf) =	vpush v10, $0xF;
	v10, _, _ =	vpop (xrf0)  }
0x70: {  	s4 =	sadd.s32 $0xEF, s13;
	s13 =	simm.s32 $0x0;
	p2 =	por !p2, !p2;
	v63 =	vadd.s32 v7, v13;
	(xrf0) =	vadd.scan.msk.s32 $0xffff, v11;
	(v2sf) =	vpush v10, $0xF  }
0x71: {  	s2 =	simm.s32 $0x6F;
	s13 =	smov.u32 @p2 s4;
	s28 =	sadd.s32 $0xDF, s23;
	vm1 =	vge.s32 v63, v4  }
0x72: {  	s21 =	simm.s32 $0x9F;
	s20 =	simm.s32 $0x7F;
	s31 =	spop (v2sf);
	v11 =	vsel vm1, $0x1, v1  }
0x73: {  	s22 =	simm.s32 $0x8F;
	s29 =	sadd.s32 $0xCF, s25;
	s0 =	sadd.s32 $0x0, s31;
	(xrf0) =	vadd.scan.msk.s32 $0xffff, v11  }
0x74: {  	s24 =	simm.s32 $0xAF;
	s14 =	smov.u32 @p2 s0;
	(xrf0) =	vadd.scan.msk.s32 $0xffff, v9;
	s0 =	spop (v2sf)  }
.LBB2_5:
0x75: {  	p2 =	sne.s32 s2, $0xFFFFFFFF;
	s4 =	sadd.s32 $0xFFFFFFFF, s0;
	s7 =	sadd.s32 s26, s0  }
0x76: {  	v11, _, _ =	vpop (xrf0);
	s8 =	smov.u32 s16;
	s16 =	smov.u32 s17;
	s17 =	smov.u32 s19  }
0x77: {  	v12 =	vbroadcast v10, $0xF;
	s19 =	smov.u32 s18;
	s26 =	smov.u32 s24;
	s10 =	spop (v2sf);
	v13 =	vmov s4;
	(v2sf) =	vpush v11, $0xF  }
0x78: {  	s24 =	smov.u32 s21;
	s21 =	smov.u32 s22;
	s18 =	sadd.s32 s18, s10;
	vm1 =	veq.s32 v13, v0  }
0x79: {  	s1 =	sadd.s32 $0xFFFFFFF0, s1;
	s22 =	smov.u32 s20;
	s20 =	smov.u32 s2;
	v11 =	vsub.s32 v12, v10;
	v15 =	vadd.s32 s18, v8;
	v10, _, _ =	vpop (xrf0);
	v13 =	vnsel vm1, $0x0, v5  }
0x7a: {  	p0 =	por p0, p1;
	s4 =	smov.u32 s25;
	s25 =	smov.u32 s0;
	v5 =	vmovc v6;
	v6 =	vmov v7;
	v12 =	vld [tilespmem:s1+$0x0];
	v14 =	vadd.s32 v11, v15;
	(v2sf) =	vpush v10, $0xF;
	(xrf0) =	vadd.scan.msk.s32 $0xffff, v13  }
.Ltmp2:
0x7b: {  	p1 =	sgt.s32 s23, $0x0;
	p3 =	por !p0, !p0;
	v7 =	vmov v11;
	v8 =	vmov v9;
	v10, _, _ =	vpop (xrf0);
	vm1 =	vge.s32 v14, v4;
	(pc) =	sbr.rel @p2 .LBB2_5-.Ltmp2, $4  }
0x7c: {  	p3 =	por !p1, !p3;
	s23 =	smov.u32 s4;
	(v2sf) =	vpush v10, $0xF;
	v9 =	vsel vm1, $0x1, v1;
	s0 =	spop (v2sf)  }
0x7d: {  	p3 =	por !p3, !p3;
	(xrf0) =	vadd.scan.msk.s32 $0xffff, v9;
	s0 =	sadd.s32 s15, s0;
	s15 =	smov.u32 s8  }
0x7e: {  	s13 =	smov.u32 @p3 s28;
	s28 =	smov.u32 s29;
	s14 =	smov.u32 @p3 s0  }
0x7f: {  	s2 =	sadd.s32 $0xFFFFFFF0, s2;
	s29 =	smov.u32 s7;
	(xrf0) =	vadd.scan.msk.s32 $0xffff, v12;
	s0 =	spop (v2sf);
	v9 =	vmov v12  }
0x80: {  	_ =	sdelay $0x7  }
0x81: {  	v11, _, _ =	vpop (xrf0);
	v12 =	vbroadcast v10, $0xF;
	s1 =	spop (v2sf)  }
0x82: {  	s2 =	sadd.s32 $0xFFFFFFFF, s0;
	s1 =	sadd.s32 s18, s1;
	v13, _, _ =	vpop (xrf0);
	s4 =	spop (v2sf)  }
0x83: {  	v14 =	vmov s2;
	v10 =	vsub.s32 v12, v10;
	v8 =	vadd.s32 s1, v8;
	v60, _, _ =	vpop (xrf0);
	s2 =	spop (v2sf)  }
0x84: {  	vm1 =	veq.s32 v14, v0;
	v8 =	vadd.s32 v10, v8;
	v61 =	vbroadcast v60, $0xF;
	s7 =	spop (v2sf)  }
0x85: {  	v5 =	vnsel vm1, $0x0, v5;
	vm1 =	vge.s32 v8, v4;
	s8 =	sadd.s32 $0xFFFFFFFF, s2;
	s10 =	sadd.s32 s1, s7  }
0x86: {  	v14 =	vsub.s32 v61, v60;
	v62 =	vmov s8;
	v9 =	vadd.s32 s10, v9  }
0x87: {  	(xrf0) =	vadd.scan.msk.s32 $0xffff, v5;
	v5 =	vsel vm1, $0x1, v1;
	vm1 =	veq.s32 v62, v0;
	v63 =	vadd.s32 v14, v9  }
0x88: {  	(xrf0) =	vadd.scan.msk.s32 $0xffff, v5;
	v5 =	vnsel vm1, $0x0, v6;
	vm1 =	vge.s32 v63, v4  }
0x89: {  	(xrf0) =	vadd.scan.msk.s32 $0xffff, v5;
	v4 =	vsel vm1, $0x1, v1  }
0x8a: {  	(v2sf) =	vpush v11, $0xF;
	(xrf0) =	vadd.scan.msk.s32 $0xffff, v4  }
0x8b: {  	(v2sf) =	vpush v13, $0xF;
	_ =	sdelay $0x1  }
0x8c: {  	(v2sf) =	vpush v60, $0xF;
	v4, _, _ =	vpop (xrf0)  }
0x8d: {  	(v2sf) =	vpush v4, $0xF;
	v4, _, _ =	vpop (xrf0)  }
0x8e: {  	(v2sf) =	vpush v4, $0xF;
	v4, _, _ =	vpop (xrf0)  }
0x8f: {  	(v2sf) =	vpush v4, $0xF;
	v4, _, _ =	vpop (xrf0)  }
0x90: {  	(v2sf) =	vpush v4, $0xF;
	_ =	sdelay $0x7  }
0x91: {  	s3 =	spop (v2sf)  }
0x92: {  	s30 =	spop (v2sf)  }
0x93: {  	s5 =	sadd.s32 $0xFFFFFFFF, s30  }
0x94: {  	s12 =	spop (v2sf);
	v4 =	vmov s5  }
0x95: {  	vm1 =	veq.s32 v4, v0;
	s31 =	spop (v2sf)  }
0x96: {  	v4 =	vnsel vm1, $0x0, v7;
	s12 =	spop (v2sf)  }
0x97: {  	(xrf0) =	vadd.scan.msk.s32 $0xffff, v4;
	s6 =	sadd.s32 $0xFFFFFFFF, s12;
	s5 =	spop (v2sf)  }
0x98: {  	v4 =	vmov s6;
	s9 =	spop (v2sf)  }
0x99: {  	vm1 =	veq.s32 v4, v0;
	s6 =	sadd.s32 $0xFFFFFFFF, s9  }
0x9a: {  	v5 =	vnsel vm1, $0x0, v10;
	v4 =	vmov s6  }
0x9b: {  	vm1 =	veq.s32 v4, v0  }
0x9c: {  	(xrf0) =	vadd.scan.msk.s32 $0xffff, v5;
	v4 =	vnsel vm1, $0x0, v14  }
0x9d: {  	v5, _, _ =	vpop (xrf0);
	(xrf0) =	vadd.scan.msk.s32 $0xffff, v4;
	_ =	sdelay $0x2  }
0x9e: {  	p0 =	por p0, p1;
	p3 =	sgt.s32 s23, $0x0;
	p4 =	sgt.s32 s25, $0x0;
	(v2sf) =	vpush v5, $0xF  }
0x9f: {  	p6 =	sgt.s32 s0, $0x0;
	p2 =	por !p0, !p0;
	p0 =	por p0, p3  }
0xa0: {  	p2 =	por !p3, !p2;
	p5 =	por !p0, !p0;
	p0 =	por p0, p4;
	v4, _, _ =	vpop (xrf0)  }
0xa1: {  	p2 =	por !p2, !p2;
	p3 =	por !p0, !p0;
	s4 =	sadd.s32 s15, s4;
	(v2sf) =	vpush v4, $0xF;
	v4, _, _ =	vpop (xrf0)  }
0xa2: {  	s13 =	smov.u32 @p2 s28;
	s14 =	smov.u32 @p2 s4;
	p2 =	por !p4, !p5;
	(v2sf) =	vpush v4, $0xF  }
0xa3: {  	p0 =	por p0, p6;
	p3 =	por !p6, !p3;
	p2 =	por !p2, !p2  }
0xa4: {  	[tilespmem:$0x1080] =	vst v1;
	p1 =	por !p0, !p0;
	s13 =	smov.u32 @p2 s29;
	p4 =	sgt.s32 s2, $0x0  }
0xa5: {  	[tilespmem:$0x1090] =	vst v1;
	p1 =	por !p4, !p1;
	p0 =	por p0, p4;
	s4 =	sadd.s32 s16, s3  }
0xa6: {  	[tilespmem:$0x10A0] =	vst v1;
	p5 =	por !p0, !p0;
	s14 =	smov.u32 @p2 s4;
	p6 =	sgt.s32 s30, $0x0  }
0xa7: {  	[tilespmem:$0x10B0] =	vst v1;
	p2 =	por !p3, !p3;
	p0 =	por p0, p6;
	s4 =	sadd.s32 s17, s31  }
0xa8: {  	[tilespmem:$0x10C0] =	vst v1;
	p1 =	por !p1, !p1;
	p4 =	por !p0, !p0;
	s14 =	smov.u32 @p2 s4  }
0xa9: {  	[tilespmem:$0x10D0] =	vst v1;
	s6 =	sadd.s32 s26, s0;
	s0 =	sadd.s32 s24, s2;
	s2 =	sadd.s32 s19, s5  }
0xaa: {  	[tilespmem:$0x10E0] =	vst v1;
	s13 =	smov.u32 @p2 s6;
	s14 =	smov.u32 @p1 s2;
	p2 =	por !p6, !p5  }
0xab: {  	[tilespmem:$0x10F0] =	vst v1;
	s2 =	sadd.s32 s22, s12;
	p5 =	sgt.s32 s12, $0x0;
	p6 =	sgt.s32 s9, $0x0  }
0xac: {  	[tilespmem:$0x1100] =	vst v1;
	s13 =	smov.u32 @p1 s0;
	s0 =	sadd.s32 s21, s30;
	p1 =	por !p2, !p2  }
0xad: {  	[tilespmem:$0x1110] =	vst v1;
	p0 =	por p0, p5;
	s13 =	smov.u32 @p1 s0;
	s29 =	spop (v2sf)  }
0xae: {  	[tilespmem:$0x1120] =	vst v1;
	s0 =	sadd.s32 s20, s9;
	p0 =	por !p0, !p0;
	s4 =	sadd.s32 s18, s29  }
0xaf: {  	[tilespmem:$0x1130] =	vst v1;
	p0 =	por !p6, !p0;
	s14 =	smov.u32 @p1 s4;
	p1 =	por !p5, !p4  }
0xb0: {  	[tilespmem:$0x1140] =	vst v1;
	p0 =	por !p0, !p0;
	p1 =	por !p1, !p1;
	s30 =	spop (v2sf)  }
0xb1: {  	[tilespmem:$0x1150] =	vst v1;
	s13 =	smov.u32 @p1 s2;
	s1 =	sadd.s32 s1, s30;
	s31 =	spop (v2sf)  }
0xb2: {  	[tilespmem:$0x1160] =	vst v1;
	s13 =	smov.u32 @p0 s0;
	s14 =	smov.u32 @p1 s1;
	s1 =	sadd.s32 s10, s31  }
0xb3: {  	[tilespmem:$0x1170] =	vst v1;
	s0 =	simm.s32 $0x40;
	v4 =	vmov s13;
	s14 =	smov.u32 @p0 s1;
	s1 =	simm.s32 $0x0  }
.LBB2_7:
0xb4: {  	p0 =	seq.s32 s0, $0x3FC0;
	v5 =	vld [tilespmem:s1+$0x0];
	_ =	sdelay $0x4  }
0xb5: {  	vm1 =	vlt.s32 v5, $0x0;
	v6 =	vxor.u32 $0xFFFFFFFF, v5;
	v5 =	vor.u32 $0x80000000, v5  }
0xb6: {  	v5 =	vsel vm1, v6, v5  }
0xb7: {  	v6 =	vshrl.u32 v5, $0x18  }
0xb8: {  	v5 =	vshrl.u32 v5, $0x10;
	vm1 =	veq.s32 v6, v4  }
0xb9: {  	v5 =	vand.u32 $0xFF, v5  }
.Ltmp3:
0xba: {  	(pc) =	sbr.rel @!p0 .LBB2_7-.Ltmp3, $2  }
0xbb: {  	_ =	sdelay $0x2  }
0xbc: {  	s1 =	sshra.s32 s0, $0x2;
	s0 =	sadd.s32 $0x40, s0;
	[tilespmem:v5+s11+$0x0] =	vst.idx.add.s32.msk vm1, v2  }
0xbd: {  	v5 =	vld [tilespmem:s1+$0x0];
	_ =	sdelay $0x4  }
0xbe: {  	vm1 =	vlt.s32 v5, $0x0;
	v6 =	vxor.u32 $0xFFFFFFFF, v5;
	v5 =	vor.u32 $0x80000000, v5  }
0xbf: {  	v5 =	vsel vm1, v6, v5  }
0xc0: {  	v6 =	vshrl.u32 v5, $0x18  }
0xc1: {  	vm1 =	veq.s32 v6, v4;
	v4 =	vshrl.u32 v5, $0x10  }
0xc2: {  	v4 =	vand.u32 $0xFF, v4;
	_ =	sdelay $0x4  }
0xc3: {  	s22 =	simm.s32 $0x1170;
	[tilespmem:v4+s11+$0x0] =	vst.idx.add.s32.msk vm1, v2  }
0xc4: {  	(v2sf) =	vpush v3, $0xF;
	v4 =	vld [tilespmem:s22+$0x0];
	_ =	sdelay $0x4  }
0xc5: {  	(xrf0) =	vadd.scan.msk.s32 $0xffff, v4  }
0xc6: {  	s23 =	simm.s32 $0x1160  }
0xc7: {  	v5 =	vld [tilespmem:s23+$0x0];
	_ =	sdelay $0x3  }
0xc8: {  	v6, _, _ =	vpop (xrf0)  }
0xc9: {  	(xrf0) =	vadd.scan.msk.s32 $0xffff, v5;
	v7 =	vbroadcast v6, $0xF  }
0xca: {  	s15 =	simm.s32 $0x0;
	(v2sf) =	vpush v6, $0xF  }
0xcb: {  	v4 =	vadd.s32 s15, v4;
	v6 =	vsub.s32 v7, v6  }
0xcc: {  	s0 =	spop (v2sf);
	v4 =	vadd.s32 v6, v4  }
0xcd: {  	s14 =	ssub.s32 s0, s14  }
0xce: {  	v3 =	vmov s14  }
0xcf: {  	s24 =	simm.s32 $0x1150;
	vm1 =	vge.s32 v4, v3;
	v4, _, _ =	vpop (xrf0)  }
0xd0: {  	v7 =	vld [tilespmem:s24+$0x0];
	(v2sf) =	vpush v4, $0xF;
	_ =	sdelay $0x2  }
0xd1: {  	v8 =	vsel vm1, $0x1, v1  }
0xd2: {  	(xrf0) =	vadd.scan.msk.s32 $0xffff, v8  }
0xd3: {  	(xrf0) =	vadd.scan.msk.s32 $0xffff, v7;
	_ =	sdelay $0x3  }
0xd4: {  	v9 =	vbroadcast v4, $0xF;
	s25 =	spop (v2sf)  }
0xd5: {  	v8, _, _ =	vpop (xrf0);
	s17 =	sadd.s32 $0x0, s25  }
0xd6: {  	v9 =	vsub.s32 v9, v4;
	(v2sf) =	vpush v8, $0xF;
	v8, _, _ =	vpop (xrf0);
	v4 =	vadd.s32 s17, v5  }
0xd7: {  	s26 =	simm.s32 $0x1140;
	(v2sf) =	vpush v8, $0xF;
	v4 =	vadd.s32 v9, v4  }
0xd8: {  	v5 =	vld [tilespmem:s26+$0x0];
	vm1 =	vge.s32 v4, v3  }
0xd9: {  	v4 =	vsel vm1, $0x1, v1  }
0xda: {  	(xrf0) =	vadd.scan.msk.s32 $0xffff, v4;
	v4 =	vbroadcast v8, $0xF;
	s1 =	spop (v2sf)  }
0xdb: {  	s16 =	sadd.s32 s17, s1  }
0xdc: {  	v10 =	vsub.s32 v4, v8;
	v4 =	vadd.s32 s16, v7  }
0xdd: {  	(xrf0) =	vadd.scan.msk.s32 $0xffff, v5;
	v4 =	vadd.s32 v10, v4;
	_ =	sdelay $0x2  }
0xde: {  	s2 =	simm.s32 $0x1130;
	vm1 =	vge.s32 v4, v3;
	v4, _, _ =	vpop (xrf0)  }
0xdf: {  	v7 =	vld [tilespmem:s2+$0x0];
	(v2sf) =	vpush v4, $0xF;
	_ =	sdelay $0x1  }
0xe0: {  	v4, _, _ =	vpop (xrf0)  }
0xe1: {  	v8 =	vsel vm1, $0x1, v1;
	(v2sf) =	vpush v4, $0xF  }
0xe2: {  	(xrf0) =	vadd.scan.msk.s32 $0xffff, v8;
	s3 =	spop (v2sf)  }
0xe3: {  	(xrf0) =	vadd.scan.msk.s32 $0xffff, v7;
	s2 =	spop (v2sf);
	v8 =	vbroadcast v4, $0xF  }
0xe4: {  	s4 =	sadd.s32 $0xFFFFFFFF, s3;
	s18 =	sadd.s32 s16, s2  }
0xe5: {  	v11 =	vmov s4;
	v5 =	vadd.s32 s18, v5;
	v4 =	vsub.s32 v8, v4  }
0xe6: {  	vm1 =	veq.s32 v11, v0;
	v5 =	vadd.s32 v4, v5  }
0xe7: {  	v6 =	vnsel vm1, $0x0, v6;
	vm1 =	vge.s32 v5, v3  }
0xe8: {  	(xrf0) =	vadd.scan.msk.s32 $0xffff, v6;
	v8, _, _ =	vpop (xrf0);
	v6 =	vsel vm1, $0x1, v1  }
0xe9: {  	s5 =	simm.s32 $0x1120;
	(v2sf) =	vpush v8, $0xF;
	v5, _, _ =	vpop (xrf0);
	(xrf0) =	vadd.scan.msk.s32 $0xffff, v6  }
0xea: {  	v8 =	vld [tilespmem:s5+$0x0];
	_ =	sdelay $0x2  }
0xeb: {  	s26 =	spop (v2sf)  }
0xec: {  	(v2sf) =	vpush v5, $0xF;
	v6, _, _ =	vpop (xrf0);
	s7 =	sadd.s32 $0xFFFFFFFF, s26  }
0xed: {  	(v2sf) =	vpush v6, $0xF;
	v6, _, _ =	vpop (xrf0);
	(xrf0) =	vadd.scan.msk.s32 $0xffff, v8;
	v11 =	vmov s7  }
0xee: {  	(v2sf) =	vpush v6, $0xF;
	v6 =	vbroadcast v5, $0xF;
	s6 =	spop (v2sf);
	vm1 =	veq.s32 v11, v0  }
0xef: {  	s20 =	sadd.s32 s18, s6;
	v9 =	vnsel vm1, $0x0, v9  }
0xf0: {  	v5 =	vsub.s32 v6, v5;
	v6 =	vadd.s32 s20, v7;
	(xrf0) =	vadd.scan.msk.s32 $0xffff, v9  }
0xf1: {  	v6 =	vadd.s32 v5, v6  }
0xf2: {  	s8 =	simm.s32 $0x1110;
	vm1 =	vge.s32 v6, v3  }
0xf3: {  	v7 =	vld [tilespmem:s8+$0x0];
	v6 =	vsel vm1, $0x1, v1;
	v9, _, _ =	vpop (xrf0)  }
0xf4: {  	(xrf0) =	vadd.scan.msk.s32 $0xffff, v6;
	v6 =	vbroadcast v9, $0xF;
	_ =	sdelay $0x1  }
0xf5: {  	s28 =	spop (v2sf);
	(v2sf) =	vpush v9, $0xF;
	v6 =	vsub.s32 v6, v9;
	v9, _, _ =	vpop (xrf0)  }
0xf6: {  	(v2sf) =	vpush v9, $0xF  }
0xf7: {  	(xrf0) =	vadd.scan.msk.s32 $0xffff, v7;
	_ =	sdelay $0x2  }
0xf8: {  	s10 =	sadd.s32 $0xFFFFFFFF, s28  }
0xf9: {  	p0 =	por $0x0, $0x0;
	s9 =	spop (v2sf);
	v11 =	vmov s10  }
0xfa: {  	s29 =	simm.s32 $0xBF;
	s0 =	simm.s32 $0x1100;
	s21 =	sadd.s32 s20, s9;
	vm1 =	veq.s32 v11, v0;
	v9, _, _ =	vpop (xrf0)  }
0xfb: {  	s19 =	simm.s32 $0x0;
	p2 =	por !p0, !p0;
	s23 =	simm.s32 $0x9F;
	v12 =	vadd.s32 s21, v8;
	v8 =	vld [tilespmem:s0+$0x0];
	v10 =	vnsel vm1, $0x0, v10;
	(v2sf) =	vpush v9, $0xF;
	v9, _, _ =	vpop (xrf0)  }
0xfc: {  	s22 =	simm.s32 $0x7F;
	s24 =	simm.s32 $0x8F;
	p1 =	sgt.s32 s3, $0x0;
	v11 =	vadd.s32 v6, v12;
	(xrf0) =	vadd.scan.msk.s32 $0xffff, v10;
	(v2sf) =	vpush v9, $0xF  }
0xfd: {  	s25 =	simm.s32 $0xAF;
	s4 =	sadd.s32 $0xEF, s3;
	p2 =	por !p1, !p2;
	vm1 =	vge.s32 v11, v3  }
0xfe: {  	s2 =	simm.s32 $0x6F;
	p2 =	por !p2, !p2;
	s12 =	spop (v2sf);
	v10 =	vsel vm1, $0x1, v1  }
0xff: {  	s19 =	smov.u32 @p2 s4;
	s30 =	sadd.s32 $0xDF, s26;
	s1 =	sadd.s32 $0x0, s12;
	(xrf0) =	vadd.scan.msk.s32 $0xffff, v10  }
0x100: {  	s31 =	sadd.s32 $0xCF, s28;
	s15 =	smov.u32 @p2 s1;
	(xrf0) =	vadd.scan.msk.s32 $0xffff, v8;
	s1 =	spop (v2sf)  }
.LBB2_9:
0x101: {  	p2 =	sne.s32 s2, $0xFFFFFFFF;
	s4 =	sadd.s32 $0xFFFFFFFF, s1;
	s5 =	sadd.s32 s29, s1  }
0x102: {  	v10, _, _ =	vpop (xrf0);
	s6 =	smov.u32 s16;
	s16 =	smov.u32 s18;
	s18 =	smov.u32 s20  }
0x103: {  	v11 =	vbroadcast v9, $0xF;
	s20 =	smov.u32 s21;
	s29 =	smov.u32 s25;
	s7 =	spop (v2sf);
	v12 =	vmov s4;
	(v2sf) =	vpush v10, $0xF  }
0x104: {  	s25 =	smov.u32 s23;
	s23 =	smov.u32 s24;
	s21 =	sadd.s32 s21, s7;
	vm1 =	veq.s32 v12, v0  }
0x105: {  	s0 =	sadd.s32 $0xFFFFFFF0, s0;
	s24 =	smov.u32 s22;
	s22 =	smov.u32 s2;
	v10 =	vsub.s32 v11, v9;
	v14 =	vadd.s32 s21, v7;
	v9, _, _ =	vpop (xrf0);
	v12 =	vnsel vm1, $0x0, v4  }
0x106: {  	p0 =	por p0, p1;
	s4 =	smov.u32 s28;
	s28 =	smov.u32 s1;
	v4 =	vmovc v5;
	v5 =	vmov v6;
	v11 =	vld [tilespmem:s0+$0x0];
	v13 =	vadd.s32 v10, v14;
	(v2sf) =	vpush v9, $0xF;
	(xrf0) =	vadd.scan.msk.s32 $0xffff, v12  }
.Ltmp4:
0x107: {  	p1 =	sgt.s32 s26, $0x0;
	p3 =	por !p0, !p0;
	v6 =	vmov v10;
	v7 =	vmov v8;
	v9, _, _ =	vpop (xrf0);
	vm1 =	vge.s32 v13, v3;
	(pc) =	sbr.rel @p2 .LBB2_9-.Ltmp4, $4  }
0x108: {  	p3 =	por !p1, !p3;
	s26 =	smov.u32 s4;
	(v2sf) =	vpush v9, $0xF;
	v8 =	vsel vm1, $0x1, v1;
	s1 =	spop (v2sf)  }
0x109: {  	p3 =	por !p3, !p3;
	(xrf0) =	vadd.scan.msk.s32 $0xffff, v8;
	s1 =	sadd.s32 s17, s1;
	s17 =	smov.u32 s6  }
0x10a: {  	s19 =	smov.u32 @p3 s30;
	s30 =	smov.u32 s31;
	s15 =	smov.u32 @p3 s1  }
0x10b: {  	s2 =	sadd.s32 $0xFFFFFFF0, s2;
	s31 =	smov.u32 s5;
	(xrf0) =	vadd.scan.msk.s32 $0xffff, v11;
	s1 =	spop (v2sf);
	v8 =	vmov v11  }
0x10c: {  	_ =	sdelay $0x7  }
0x10d: {  	v10, _, _ =	vpop (xrf0);
	v11 =	vbroadcast v9, $0xF;
	s0 =	spop (v2sf)  }
0x10e: {  	s2 =	sadd.s32 $0xFFFFFFFF, s1;
	s0 =	sadd.s32 s21, s0;
	v12, _, _ =	vpop (xrf0);
	s4 =	spop (v2sf)  }
0x10f: {  	v13 =	vmov s2;
	v9 =	vsub.s32 v11, v9;
	v7 =	vadd.s32 s0, v7;
	v60, _, _ =	vpop (xrf0);
	s12 =	spop (v2sf)  }
0x110: {  	vm1 =	veq.s32 v13, v0;
	v7 =	vadd.s32 v9, v7;
	v61 =	vbroadcast v60, $0xF;
	s6 =	spop (v2sf)  }
0x111: {  	v4 =	vnsel vm1, $0x0, v4;
	vm1 =	vge.s32 v7, v3;
	s5 =	sadd.s32 $0xFFFFFFFF, s12;
	s10 =	sadd.s32 s0, s6  }
0x112: {  	v13 =	vsub.s32 v61, v60;
	v62 =	vmov s5;
	v8 =	vadd.s32 s10, v8  }
0x113: {  	(xrf0) =	vadd.scan.msk.s32 $0xffff, v4;
	v4 =	vsel vm1, $0x1, v1;
	vm1 =	veq.s32 v62, v0;
	v63 =	vadd.s32 v13, v8  }
0x114: {  	(xrf0) =	vadd.scan.msk.s32 $0xffff, v4;
	v4 =	vnsel vm1, $0x0, v5;
	vm1 =	vge.s32 v63, v3  }
0x115: {  	(xrf0) =	vadd.scan.msk.s32 $0xffff, v4;
	v3 =	vsel vm1, $0x1, v1  }
0x116: {  	(v2sf) =	vpush v10, $0xF;
	(xrf0) =	vadd.scan.msk.s32 $0xffff, v3  }
0x117: {  	(v2sf) =	vpush v12, $0xF;
	_ =	sdelay $0x1  }
0x118: {  	(v2sf) =	vpush v60, $0xF;
	v3, _, _ =	vpop (xrf0)  }
0x119: {  	(v2sf) =	vpush v3, $0xF;
	v3, _, _ =	vpop (xrf0)  }
0x11a: {  	(v2sf) =	vpush v3, $0xF;
	v3, _, _ =	vpop (xrf0)  }
0x11b: {  	(v2sf) =	vpush v3, $0xF;
	v3, _, _ =	vpop (xrf0)  }
0x11c: {  	(v2sf) =	vpush v3, $0xF;
	_ =	sdelay $0x7  }
0x11d: {  	s5 =	spop (v2sf)  }
0x11e: {  	s8 =	spop (v2sf)  }
0x11f: {  	s7 =	sadd.s32 $0xFFFFFFFF, s8  }
0x120: {  	v3 =	vmov s7;
	s9 =	spop (v2sf)  }
0x121: {  	vm1 =	veq.s32 v3, v0;
	s6 =	spop (v2sf)  }
0x122: {  	v3 =	vnsel vm1, $0x0, v6;
	s7 =	spop (v2sf)  }
0x123: {  	(xrf0) =	vadd.scan.msk.s32 $0xffff, v3;
	s2 =	sadd.s32 $0xFFFFFFFF, s7;
	s9 =	spop (v2sf)  }
0x124: {  	v3 =	vmov s2;
	s2 =	spop (v2sf)  }
0x125: {  	s3 =	sadd.s32 $0xFFFFFFFF, s2  }
0x126: {  	vm1 =	veq.s32 v3, v0;
	v3 =	vmov s3  }
0x127: {  	v4 =	vnsel vm1, $0x0, v9;
	vm1 =	veq.s32 v3, v0  }
0x128: {  	(xrf0) =	vadd.scan.msk.s32 $0xffff, v4;
	v4 =	vnsel vm1, $0x0, v13  }
0x129: {  	v3, _, _ =	vpop (xrf0);
	(xrf0) =	vadd.scan.msk.s32 $0xffff, v4  }
0x12a: {  	p0 =	por p0, p1  }
0x12b: {  	p6 =	sgt.s32 s26, $0x0;
	p2 =	por !p0, !p0;
	(v2sf) =	vpush v3, $0xF  }
0x12c: {  	p3 =	sgt.s32 s28, $0x0;
	p2 =	por !p6, !p2  }
0x12d: {  	p5 =	sgt.s32 s1, $0x0;
	p0 =	por p0, p6;
	p2 =	por !p2, !p2  }
0x12e: {  	p4 =	por !p0, !p0;
	p0 =	por p0, p3;
	s19 =	smov.u32 @p2 s30;
	v3, _, _ =	vpop (xrf0)  }
0x12f: {  	p6 =	sgt.s32 s12, $0x0;
	s3 =	sadd.s32 s17, s4;
	s4 =	sadd.s32 s20, s9;
	(v2sf) =	vpush v3, $0xF;
	v3, _, _ =	vpop (xrf0)  }
0x130: {  	s15 =	smov.u32 @p2 s3;
	s3 =	sadd.s32 s29, s1;
	p2 =	por !p3, !p4;
	(v2sf) =	vpush v3, $0xF  }
0x131: {  	p3 =	por !p0, !p0;
	s1 =	sadd.s32 s16, s5;
	p0 =	por p0, p5  }
0x132: {  	[tilespmem:$0x1080] =	vst v1;
	s5 =	sadd.s32 s22, s2;
	p4 =	sgt.s32 s7, $0x0;
	p2 =	por !p2, !p2  }
0x133: {  	[tilespmem:$0x1090] =	vst v1;
	p3 =	por !p5, !p3;
	p1 =	por !p0, !p0;
	p0 =	por p0, p6  }
0x134: {  	[tilespmem:$0x10A0] =	vst v1;
	s19 =	smov.u32 @p2 s31;
	s15 =	smov.u32 @p2 s1;
	p2 =	por !p3, !p3  }
0x135: {  	[tilespmem:$0x10B0] =	vst v1;
	s1 =	sadd.s32 s18, s6;
	p1 =	por !p6, !p1;
	p3 =	sgt.s32 s8, $0x0  }
0x136: {  	[tilespmem:$0x10C0] =	vst v1;
	p6 =	sgt.s32 s2, $0x0;
	s31 =	sshll.u32 s13, $0x8;
	s19 =	smov.u32 @p2 s3  }
0x137: {  	[tilespmem:$0x10D0] =	vst v1;
	s15 =	smov.u32 @p2 s1;
	s1 =	sadd.s32 s25, s12;
	s3 =	sadd.s32 s23, s8  }
0x138: {  	[tilespmem:$0x10E0] =	vst v1;
	p1 =	por !p1, !p1;
	p2 =	por !p0, !p0;
	p0 =	por p0, p3  }
0x139: {  	[tilespmem:$0x10F0] =	vst v1;
	s19 =	smov.u32 @p1 s1;
	s15 =	smov.u32 @p1 s4;
	p1 =	por !p3, !p2  }
0x13a: {  	[tilespmem:$0x1100] =	vst v1;
	p5 =	por !p0, !p0;
	p0 =	por p0, p4;
	s28 =	spop (v2sf)  }
0x13b: {  	[tilespmem:$0x1110] =	vst v1;
	p1 =	por !p1, !p1;
	p0 =	por !p0, !p0;
	s4 =	sadd.s32 s21, s28  }
0x13c: {  	[tilespmem:$0x1120] =	vst v1;
	s19 =	smov.u32 @p1 s3;
	s15 =	smov.u32 @p1 s4;
	p1 =	por !p4, !p5  }
0x13d: {  	[tilespmem:$0x1130] =	vst v1;
	s1 =	sadd.s32 s24, s7;
	p0 =	por !p6, !p0;
	p1 =	por !p1, !p1  }
0x13e: {  	[tilespmem:$0x1140] =	vst v1;
	p0 =	por !p0, !p0;
	s29 =	spop (v2sf);
	s19 =	smov.u32 @p1 s1  }
0x13f: {  	[tilespmem:$0x1150] =	vst v1;
	s0 =	sadd.s32 s0, s29;
	s19 =	smov.u32 @p0 s5;
	s30 =	spop (v2sf)  }
0x140: {  	[tilespmem:$0x1160] =	vst v1;
	s15 =	smov.u32 @p1 s0;
	s16 =	sor.u32 s31, s19;
	s0 =	sadd.s32 s10, s30  }
0x141: {  	[tilespmem:$0x1170] =	vst v1;
	s1 =	simm.s32 $0x0;
	v3 =	vmov s16;
	s15 =	smov.u32 @p0 s0;
	s0 =	simm.s32 $0x40  }
.LBB2_11:
0x142: {  	p0 =	seq.s32 s0, $0x3FC0;
	v4 =	vld [tilespmem:s1+$0x0];
	_ =	sdelay $0x4  }
0x143: {  	vm1 =	vlt.s32 v4, $0x0;
	v5 =	vxor.u32 $0xFFFFFFFF, v4;
	v4 =	vor.u32 $0x80000000, v4  }
0x144: {  	v4 =	vsel vm1, v5, v4  }
0x145: {  	v5 =	vshrl.u32 v4, $0x10  }
0x146: {  	v4 =	vshrl.u32 v4, $0x8;
	vm1 =	veq.s32 v5, v3  }
0x147: {  	v4 =	vand.u32 $0xFF, v4  }
.Ltmp5:
0x148: {  	(pc) =	sbr.rel @!p0 .LBB2_11-.Ltmp5, $2  }
0x149: {  	_ =	sdelay $0x2  }
0x14a: {  	s1 =	sshra.s32 s0, $0x2;
	s0 =	sadd.s32 $0x40, s0;
	[tilespmem:v4+s11+$0x0] =	vst.idx.add.s32.msk vm1, v2  }
0x14b: {  	v4 =	vld [tilespmem:s1+$0x0];
	_ =	sdelay $0x4  }
0x14c: {  	vm1 =	vlt.s32 v4, $0x0;
	v5 =	vxor.u32 $0xFFFFFFFF, v4;
	v4 =	vor.u32 $0x80000000, v4  }
0x14d: {  	v4 =	vsel vm1, v5, v4  }
0x14e: {  	v5 =	vshrl.u32 v4, $0x10  }
0x14f: {  	vm1 =	veq.s32 v5, v3;
	v3 =	vshrl.u32 v4, $0x8  }
0x150: {  	v3 =	vand.u32 $0xFF, v3;
	_ =	sdelay $0x4  }
0x151: {  	s0 =	simm.s32 $0x1170;
	[tilespmem:v3+s11+$0x0] =	vst.idx.add.s32.msk vm1, v2  }
0x152: {  	v4 =	vld [tilespmem:s0+$0x0];
	_ =	sdelay $0x4  }
0x153: {  	(xrf0) =	vadd.scan.msk.s32 $0xffff, v4  }
0x154: {  	s13 =	ssub.s32 s14, s15;
	s15 =	simm.s32 $0x1160  }
0x155: {  	v5 =	vld [tilespmem:s15+$0x0];
	_ =	sdelay $0x3  }
0x156: {  	v6, _, _ =	vpop (xrf0)  }
0x157: {  	(xrf0) =	vadd.scan.msk.s32 $0xffff, v5;
	v7 =	vbroadcast v6, $0xF  }
0x158: {  	s14 =	simm.s32 $0x0;
	(v2sf) =	vpush v6, $0xF  }
0x159: {  	v4 =	vadd.s32 s14, v4;
	v6 =	vsub.s32 v7, v6  }
0x15a: {  	v4 =	vadd.s32 v6, v4;
	_ =	sdelay $0x1  }
0x15b: {  	v3 =	vmov s13  }
0x15c: {  	s17 =	simm.s32 $0x1150;
	vm1 =	vge.s32 v4, v3;
	v4, _, _ =	vpop (xrf0)  }
0x15d: {  	v7 =	vld [tilespmem:s17+$0x0];
	(v2sf) =	vpush v4, $0xF;
	_ =	sdelay $0x2  }
0x15e: {  	v8 =	vsel vm1, $0x1, v1  }
0x15f: {  	(xrf0) =	vadd.scan.msk.s32 $0xffff, v8  }
0x160: {  	(xrf0) =	vadd.scan.msk.s32 $0xffff, v7;
	_ =	sdelay $0x3  }
0x161: {  	v9 =	vbroadcast v4, $0xF;
	s18 =	spop (v2sf)  }
0x162: {  	v8, _, _ =	vpop (xrf0);
	s17 =	sadd.s32 $0x0, s18  }
0x163: {  	v9 =	vsub.s32 v9, v4;
	(v2sf) =	vpush v8, $0xF;
	v8, _, _ =	vpop (xrf0);
	v4 =	vadd.s32 s17, v5  }
0x164: {  	s19 =	simm.s32 $0x1140;
	(v2sf) =	vpush v8, $0xF;
	v4 =	vadd.s32 v9, v4  }
0x165: {  	v5 =	vld [tilespmem:s19+$0x0];
	vm1 =	vge.s32 v4, v3  }
0x166: {  	v4 =	vsel vm1, $0x1, v1  }
0x167: {  	(xrf0) =	vadd.scan.msk.s32 $0xffff, v4;
	v4 =	vbroadcast v8, $0xF;
	s20 =	spop (v2sf)  }
0x168: {  	s15 =	sadd.s32 s17, s20  }
0x169: {  	v10 =	vsub.s32 v4, v8;
	v4 =	vadd.s32 s15, v7  }
0x16a: {  	(xrf0) =	vadd.scan.msk.s32 $0xffff, v5;
	v4 =	vadd.s32 v10, v4;
	_ =	sdelay $0x2  }
0x16b: {  	s21 =	simm.s32 $0x1130;
	vm1 =	vge.s32 v4, v3;
	v4, _, _ =	vpop (xrf0)  }
0x16c: {  	v7 =	vld [tilespmem:s21+$0x0];
	(v2sf) =	vpush v4, $0xF;
	_ =	sdelay $0x1  }
0x16d: {  	v4, _, _ =	vpop (xrf0)  }
0x16e: {  	v8 =	vsel vm1, $0x1, v1;
	(v2sf) =	vpush v4, $0xF  }
0x16f: {  	(xrf0) =	vadd.scan.msk.s32 $0xffff, v8;
	s22 =	spop (v2sf)  }
0x170: {  	(xrf0) =	vadd.scan.msk.s32 $0xffff, v7;
	s2 =	spop (v2sf);
	v8 =	vbroadcast v4, $0xF  }
0x171: {  	s4 =	sadd.s32 $0xFFFFFFFF, s22;
	s18 =	sadd.s32 s15, s2  }
0x172: {  	v11 =	vmov s4;
	v5 =	vadd.s32 s18, v5;
	v4 =	vsub.s32 v8, v4  }
0x173: {  	vm1 =	veq.s32 v11, v0;
	v5 =	vadd.s32 v4, v5  }
0x174: {  	v6 =	vnsel vm1, $0x0, v6;
	vm1 =	vge.s32 v5, v3  }
0x175: {  	(xrf0) =	vadd.scan.msk.s32 $0xffff, v6;
	v8, _, _ =	vpop (xrf0);
	v6 =	vsel vm1, $0x1, v1  }
0x176: {  	s5 =	simm.s32 $0x1120;
	(v2sf) =	vpush v8, $0xF;
	v5, _, _ =	vpop (xrf0);
	(xrf0) =	vadd.scan.msk.s32 $0xffff, v6  }
0x177: {  	v8 =	vld [tilespmem:s5+$0x0];
	_ =	sdelay $0x2  }
0x178: {  	s26 =	spop (v2sf)  }
0x179: {  	(v2sf) =	vpush v5, $0xF;
	v6, _, _ =	vpop (xrf0);
	s7 =	sadd.s32 $0xFFFFFFFF, s26  }
0x17a: {  	(v2sf) =	vpush v6, $0xF;
	v6, _, _ =	vpop (xrf0);
	(xrf0) =	vadd.scan.msk.s32 $0xffff, v8;
	v11 =	vmov s7  }
0x17b: {  	(v2sf) =	vpush v6, $0xF;
	v6 =	vbroadcast v5, $0xF;
	s6 =	spop (v2sf);
	vm1 =	veq.s32 v11, v0  }
0x17c: {  	s20 =	sadd.s32 s18, s6;
	v9 =	vnsel vm1, $0x0, v9  }
0x17d: {  	v5 =	vsub.s32 v6, v5;
	v6 =	vadd.s32 s20, v7;
	(xrf0) =	vadd.scan.msk.s32 $0xffff, v9  }
0x17e: {  	v6 =	vadd.s32 v5, v6  }
0x17f: {  	s8 =	simm.s32 $0x1110;
	vm1 =	vge.s32 v6, v3  }
0x180: {  	v7 =	vld [tilespmem:s8+$0x0];
	v6 =	vsel vm1, $0x1, v1;
	v9, _, _ =	vpop (xrf0)  }
0x181: {  	(xrf0) =	vadd.scan.msk.s32 $0xffff, v6;
	v6 =	vbroadcast v9, $0xF;
	_ =	sdelay $0x1  }
0x182: {  	s28 =	spop (v2sf);
	(v2sf) =	vpush v9, $0xF;
	v6 =	vsub.s32 v6, v9;
	v9, _, _ =	vpop (xrf0)  }
0x183: {  	(v2sf) =	vpush v9, $0xF  }
0x184: {  	(xrf0) =	vadd.scan.msk.s32 $0xffff, v7;
	_ =	sdelay $0x2  }
0x185: {  	s10 =	sadd.s32 $0xFFFFFFFF, s28  }
0x186: {  	p0 =	por $0x0, $0x0;
	s9 =	spop (v2sf);
	v11 =	vmov s10  }
0x187: {  	s29 =	simm.s32 $0xBF;
	s0 =	simm.s32 $0x1100;
	s21 =	sadd.s32 s20, s9;
	vm1 =	veq.s32 v11, v0;
	v9, _, _ =	vpop (xrf0)  }
0x188: {  	s25 =	simm.s32 $0xAF;
	s23 =	simm.s32 $0x9F;
	s24 =	simm.s32 $0x8F;
	v12 =	vadd.s32 s21, v8;
	v8 =	vld [tilespmem:s0+$0x0];
	v10 =	vnsel vm1, $0x0, v10;
	(v2sf) =	vpush v9, $0xF;
	v9, _, _ =	vpop (xrf0)  }
0x189: {  	p2 =	por !p0, !p0;
	s19 =	simm.s32 $0x0;
	p1 =	sgt.s32 s22, $0x0;
	v11 =	vadd.s32 v6, v12;
	(xrf0) =	vadd.scan.msk.s32 $0xffff, v10;
	(v2sf) =	vpush v9, $0xF  }
0x18a: {  	s3 =	sadd.s32 $0xEF, s22;
	s22 =	simm.s32 $0x7F;
	p2 =	por !p1, !p2;
	vm1 =	vge.s32 v11, v3  }
0x18b: {  	s2 =	simm.s32 $0x6F;
	p2 =	por !p2, !p2;
	s12 =	spop (v2sf);
	v10 =	vsel vm1, $0x1, v1  }
0x18c: {  	s19 =	smov.u32 @p2 s3;
	s30 =	sadd.s32 $0xDF, s26;
	s1 =	sadd.s32 $0x0, s12;
	(xrf0) =	vadd.scan.msk.s32 $0xffff, v10  }
0x18d: {  	s31 =	sadd.s32 $0xCF, s28;
	s14 =	smov.u32 @p2 s1;
	(xrf0) =	vadd.scan.msk.s32 $0xffff, v8;
	s1 =	spop (v2sf)  }
.LBB2_13:
0x18e: {  	p2 =	sne.s32 s2, $0xFFFFFFFF;
	s3 =	sadd.s32 $0xFFFFFFFF, s1;
	s4 =	sadd.s32 s29, s1  }
0x18f: {  	v10, _, _ =	vpop (xrf0);
	s5 =	smov.u32 s15;
	s15 =	smov.u32 s18;
	s18 =	smov.u32 s20  }
0x190: {  	v11 =	vbroadcast v9, $0xF;
	s20 =	smov.u32 s21;
	s29 =	smov.u32 s25;
	s6 =	spop (v2sf);
	v12 =	vmov s3;
	(v2sf) =	vpush v10, $0xF  }
0x191: {  	s25 =	smov.u32 s23;
	s23 =	smov.u32 s24;
	s21 =	sadd.s32 s21, s6;
	vm1 =	veq.s32 v12, v0  }
0x192: {  	s0 =	sadd.s32 $0xFFFFFFF0, s0;
	s24 =	smov.u32 s22;
	s22 =	smov.u32 s2;
	v10 =	vsub.s32 v11, v9;
	v14 =	vadd.s32 s21, v7;
	v9, _, _ =	vpop (xrf0);
	v12 =	vnsel vm1, $0x0, v4  }
0x193: {  	p0 =	por p0, p1;
	s3 =	smov.u32 s28;
	s28 =	smov.u32 s1;
	v4 =	vmovc v5;
	v5 =	vmov v6;
	v11 =	vld [tilespmem:s0+$0x0];
	v13 =	vadd.s32 v10, v14;
	(v2sf) =	vpush v9, $0xF;
	(xrf0) =	vadd.scan.msk.s32 $0xffff, v12  }
.Ltmp6:
0x194: {  	p1 =	sgt.s32 s26, $0x0;
	p3 =	por !p0, !p0;
	v6 =	vmov v10;
	v7 =	vmov v8;
	v9, _, _ =	vpop (xrf0);
	vm1 =	vge.s32 v13, v3;
	(pc) =	sbr.rel @p2 .LBB2_13-.Ltmp6, $4  }
0x195: {  	p3 =	por !p1, !p3;
	s26 =	smov.u32 s3;
	(v2sf) =	vpush v9, $0xF;
	v8 =	vsel vm1, $0x1, v1;
	s1 =	spop (v2sf)  }
0x196: {  	p3 =	por !p3, !p3;
	(xrf0) =	vadd.scan.msk.s32 $0xffff, v8;
	s1 =	sadd.s32 s17, s1;
	s17 =	smov.u32 s5  }
0x197: {  	s19 =	smov.u32 @p3 s30;
	s30 =	smov.u32 s31;
	s14 =	smov.u32 @p3 s1  }
0x198: {  	s2 =	sadd.s32 $0xFFFFFFF0, s2;
	s31 =	smov.u32 s4;
	(xrf0) =	vadd.scan.msk.s32 $0xffff, v11;
	s1 =	spop (v2sf);
	v8 =	vmov v11  }
0x199: {  	_ =	sdelay $0x7  }
0x19a: {  	v10, _, _ =	vpop (xrf0);
	v11 =	vbroadcast v9, $0xF;
	s0 =	spop (v2sf)  }
0x19b: {  	s2 =	sadd.s32 $0xFFFFFFFF, s1;
	s0 =	sadd.s32 s21, s0;
	v12, _, _ =	vpop (xrf0);
	s4 =	spop (v2sf)  }
0x19c: {  	v13 =	vmov s2;
	v9 =	vsub.s32 v11, v9;
	v7 =	vadd.s32 s0, v7;
	v60, _, _ =	vpop (xrf0);
	s12 =	spop (v2sf)  }
0x19d: {  	vm1 =	veq.s32 v13, v0;
	v7 =	vadd.s32 v9, v7;
	v61 =	vbroadcast v60, $0xF;
	s6 =	spop (v2sf)  }
0x19e: {  	v4 =	vnsel vm1, $0x0, v4;
	vm1 =	vge.s32 v7, v3;
	s3 =	sadd.s32 $0xFFFFFFFF, s12;
	s10 =	sadd.s32 s0, s6  }
0x19f: {  	v13 =	vsub.s32 v61, v60;
	v62 =	vmov s3;
	v8 =	vadd.s32 s10, v8  }
0x1a0: {  	(xrf0) =	vadd.scan.msk.s32 $0xffff, v4;
	v4 =	vsel vm1, $0x1, v1;
	vm1 =	veq.s32 v62, v0;
	v63 =	vadd.s32 v13, v8  }
0x1a1: {  	(xrf0) =	vadd.scan.msk.s32 $0xffff, v4;
	v4 =	vnsel vm1, $0x0, v5;
	vm1 =	vge.s32 v63, v3  }
0x1a2: {  	(xrf0) =	vadd.scan.msk.s32 $0xffff, v4;
	v3 =	vsel vm1, $0x1, v1  }
0x1a3: {  	(v2sf) =	vpush v10, $0xF;
	(xrf0) =	vadd.scan.msk.s32 $0xffff, v3  }
0x1a4: {  	(v2sf) =	vpush v12, $0xF;
	_ =	sdelay $0x1  }
0x1a5: {  	(v2sf) =	vpush v60, $0xF;
	v3, _, _ =	vpop (xrf0)  }
0x1a6: {  	(v2sf) =	vpush v3, $0xF;
	v3, _, _ =	vpop (xrf0)  }
0x1a7: {  	(v2sf) =	vpush v3, $0xF;
	v3, _, _ =	vpop (xrf0)  }
0x1a8: {  	(v2sf) =	vpush v3, $0xF;
	v3, _, _ =	vpop (xrf0)  }
0x1a9: {  	(v2sf) =	vpush v3, $0xF;
	_ =	sdelay $0x7  }
0x1aa: {  	s3 =	spop (v2sf)  }
0x1ab: {  	s8 =	spop (v2sf)  }
0x1ac: {  	s7 =	sadd.s32 $0xFFFFFFFF, s8  }
0x1ad: {  	v3 =	vmov s7;
	s9 =	spop (v2sf)  }
0x1ae: {  	vm1 =	veq.s32 v3, v0;
	s5 =	spop (v2sf)  }
0x1af: {  	v3 =	vnsel vm1, $0x0, v6;
	s7 =	spop (v2sf)  }
0x1b0: {  	(xrf0) =	vadd.scan.msk.s32 $0xffff, v3;
	s2 =	sadd.s32 $0xFFFFFFFF, s7;
	s6 =	spop (v2sf)  }
0x1b1: {  	v3 =	vmov s2;
	s2 =	spop (v2sf)  }
0x1b2: {  	s9 =	sadd.s32 $0xFFFFFFFF, s2  }
0x1b3: {  	vm1 =	veq.s32 v3, v0;
	v3 =	vmov s9  }
0x1b4: {  	v4 =	vnsel vm1, $0x0, v9;
	vm1 =	veq.s32 v3, v0  }
0x1b5: {  	(xrf0) =	vadd.scan.msk.s32 $0xffff, v4;
	v4 =	vnsel vm1, $0x0, v13  }
0x1b6: {  	v3, _, _ =	vpop (xrf0);
	(xrf0) =	vadd.scan.msk.s32 $0xffff, v4;
	_ =	sdelay $0x1  }
0x1b7: {  	p0 =	por p0, p1;
	p6 =	sgt.s32 s26, $0x0;
	(v2sf) =	vpush v3, $0xF  }
0x1b8: {  	p3 =	sgt.s32 s28, $0x0;
	p2 =	por !p0, !p0;
	p0 =	por p0, p6  }
0x1b9: {  	p5 =	sgt.s32 s1, $0x0;
	p2 =	por !p6, !p2;
	p4 =	por !p0, !p0  }
0x1ba: {  	p0 =	por p0, p3;
	p2 =	por !p2, !p2;
	s4 =	sadd.s32 s17, s4;
	v3, _, _ =	vpop (xrf0)  }
0x1bb: {  	s19 =	smov.u32 @p2 s30;
	s14 =	smov.u32 @p2 s4;
	s4 =	sadd.s32 s29, s1;
	(v2sf) =	vpush v3, $0xF;
	v3, _, _ =	vpop (xrf0)  }
0x1bc: {  	p2 =	por !p3, !p4;
	p3 =	por !p0, !p0;
	p0 =	por p0, p5;
	(v2sf) =	vpush v3, $0xF  }
0x1bd: {  	p2 =	por !p2, !p2;
	p3 =	por !p5, !p3;
	p1 =	por !p0, !p0  }
0x1be: {  	[tilespmem:$0x1080] =	vst v1;
	s19 =	smov.u32 @p2 s31;
	p6 =	sgt.s32 s12, $0x0;
	s31 =	sshll.u32 s16, $0x8  }
0x1bf: {  	[tilespmem:$0x1090] =	vst v1;
	p1 =	por !p6, !p1;
	p0 =	por p0, p6;
	s1 =	sadd.s32 s15, s3  }
0x1c0: {  	[tilespmem:$0x10A0] =	vst v1;
	p1 =	por !p1, !p1;
	s14 =	smov.u32 @p2 s1;
	p2 =	por !p3, !p3  }
0x1c1: {  	[tilespmem:$0x10B0] =	vst v1;
	s19 =	smov.u32 @p2 s4;
	s3 =	sadd.s32 s23, s8;
	s1 =	sadd.s32 s18, s5  }
0x1c2: {  	[tilespmem:$0x10C0] =	vst v1;
	p3 =	sgt.s32 s8, $0x0;
	s14 =	smov.u32 @p2 s1;
	s1 =	sadd.s32 s25, s12  }
0x1c3: {  	[tilespmem:$0x10D0] =	vst v1;
	p2 =	por !p0, !p0;
	p0 =	por p0, p3;
	p4 =	sgt.s32 s7, $0x0  }
0x1c4: {  	[tilespmem:$0x10E0] =	vst v1;
	s4 =	sadd.s32 s20, s6;
	s19 =	smov.u32 @p1 s1;
	s1 =	sadd.s32 s24, s7  }
0x1c5: {  	[tilespmem:$0x10F0] =	vst v1;
	p5 =	por !p0, !p0;
	p0 =	por p0, p4;
	s14 =	smov.u32 @p1 s4  }
0x1c6: {  	[tilespmem:$0x1100] =	vst v1;
	p1 =	por !p3, !p2;
	p0 =	por !p0, !p0;
	s28 =	spop (v2sf)  }
0x1c7: {  	[tilespmem:$0x1110] =	vst v1;
	p1 =	por !p1, !p1;
	p6 =	sgt.s32 s2, $0x0;
	s4 =	sadd.s32 s21, s28  }
0x1c8: {  	[tilespmem:$0x1120] =	vst v1;
	s19 =	smov.u32 @p1 s3;
	s14 =	smov.u32 @p1 s4;
	p1 =	por !p4, !p5  }
0x1c9: {  	[tilespmem:$0x1130] =	vst v1;
	s5 =	sadd.s32 s22, s2;
	p0 =	por !p6, !p0;
	p1 =	por !p1, !p1  }
0x1ca: {  	[tilespmem:$0x1140] =	vst v1;
	p0 =	por !p0, !p0;
	s29 =	spop (v2sf);
	s19 =	smov.u32 @p1 s1  }
0x1cb: {  	[tilespmem:$0x1150] =	vst v1;
	s0 =	sadd.s32 s0, s29;
	s19 =	smov.u32 @p0 s5;
	s30 =	spop (v2sf)  }
0x1cc: {  	[tilespmem:$0x1160] =	vst v1;
	s14 =	smov.u32 @p1 s0;
	s15 =	sor.u32 s31, s19;
	s0 =	sadd.s32 s10, s30  }
0x1cd: {  	[tilespmem:$0x1170] =	vst v1;
	s1 =	simm.s32 $0x0;
	v3 =	vmov s15;
	s14 =	smov.u32 @p0 s0;
	s0 =	simm.s32 $0x40  }
.LBB2_15:
0x1ce: {  	p0 =	seq.s32 s0, $0x3FC0;
	v4 =	vld [tilespmem:s1+$0x0];
	_ =	sdelay $0x4  }
0x1cf: {  	vm1 =	vlt.s32 v4, $0x0;
	v5 =	vxor.u32 $0xFFFFFFFF, v4;
	v4 =	vor.u32 $0x80000000, v4  }
0x1d0: {  	v4 =	vsel vm1, v5, v4  }
0x1d1: {  	v5 =	vshrl.u32 v4, $0x8  }
0x1d2: {  	vm1 =	veq.s32 v5, v3  }
0x1d3: {  	v4 =	vand.u32 $0xFF, v4  }
.Ltmp7:
0x1d4: {  	(pc) =	sbr.rel @!p0 .LBB2_15-.Ltmp7, $2  }
0x1d5: {  	_ =	sdelay $0x2  }
0x1d6: {  	s1 =	sshra.s32 s0, $0x2;
	s0 =	sadd.s32 $0x40, s0;
	[tilespmem:v4+s11+$0x0] =	vst.idx.add.s32.msk vm1, v2  }
0x1d7: {  	v4 =	vld [tilespmem:s1+$0x0];
	_ =	sdelay $0x4  }
0x1d8: {  	vm1 =	vlt.s32 v4, $0x0;
	v5 =	vxor.u32 $0xFFFFFFFF, v4;
	v4 =	vor.u32 $0x80000000, v4  }
0x1d9: {  	v4 =	vsel vm1, v5, v4  }
0x1da: {  	v5 =	vshrl.u32 v4, $0x8  }
0x1db: {  	vm1 =	veq.s32 v5, v3  }
0x1dc: {  	v3 =	vand.u32 $0xFF, v4;
	_ =	sdelay $0x4  }
0x1dd: {  	s0 =	simm.s32 $0x1170;
	[tilespmem:v3+s11+$0x0] =	vst.idx.add.s32.msk vm1, v2  }
0x1de: {  	v4 =	vld [tilespmem:s0+$0x0];
	_ =	sdelay $0x4  }
0x1df: {  	(xrf0) =	vadd.scan.msk.s32 $0xffff, v4  }
0x1e0: {  	s10 =	simm.s32 $0x1160  }
0x1e1: {  	v5 =	vld [tilespmem:s10+$0x0];
	_ =	sdelay $0x3  }
0x1e2: {  	v6, _, _ =	vpop (xrf0)  }
0x1e3: {  	(xrf0) =	vadd.scan.msk.s32 $0xffff, v5;
	v7 =	vbroadcast v6, $0xF  }
0x1e4: {  	s13 =	ssub.s32 s13, s14;
	s14 =	simm.s32 $0x0;
	(v2sf) =	vpush v6, $0xF  }
0x1e5: {  	v4 =	vadd.s32 s14, v4;
	v6 =	vsub.s32 v7, v6  }
0x1e6: {  	v4 =	vadd.s32 v6, v4;
	_ =	sdelay $0x1  }
0x1e7: {  	s12 =	simm.s32 $0x1150;
	v3 =	vmov s13  }
0x1e8: {  	v7 =	vld [tilespmem:s12+$0x0];
	vm1 =	vge.s32 v4, v3;
	v4, _, _ =	vpop (xrf0)  }
0x1e9: {  	(v2sf) =	vpush v4, $0xF;
	_ =	sdelay $0x1  }
0x1ea: {  	v8 =	vsel vm1, $0x1, v1  }
0x1eb: {  	(xrf0) =	vadd.scan.msk.s32 $0xffff, v8  }
0x1ec: {  	(xrf0) =	vadd.scan.msk.s32 $0xffff, v7;
	_ =	sdelay $0x4  }
0x1ed: {  	v9 =	vbroadcast v4, $0xF;
	v8, _, _ =	vpop (xrf0);
	s16 =	spop (v2sf)  }
0x1ee: {  	(v2sf) =	vpush v8, $0xF;
	v8, _, _ =	vpop (xrf0);
	s16 =	sadd.s32 $0x0, s16  }
0x1ef: {  	s17 =	simm.s32 $0x1140;
	v4 =	vsub.s32 v9, v4;
	(v2sf) =	vpush v8, $0xF;
	v5 =	vadd.s32 s16, v5  }
0x1f0: {  	v9 =	vld [tilespmem:s17+$0x0];
	v5 =	vadd.s32 v4, v5  }
0x1f1: {  	vm1 =	vge.s32 v5, v3  }
0x1f2: {  	v5 =	vsel vm1, $0x1, v1  }
0x1f3: {  	(xrf0) =	vadd.scan.msk.s32 $0xffff, v5;
	v5 =	vbroadcast v8, $0xF;
	s18 =	spop (v2sf)  }
0x1f4: {  	s17 =	sadd.s32 s16, s18  }
0x1f5: {  	(xrf0) =	vadd.scan.msk.s32 $0xffff, v9;
	v10 =	vsub.s32 v5, v8;
	v5 =	vadd.s32 s17, v7  }
0x1f6: {  	v5 =	vadd.s32 v10, v5;
	_ =	sdelay $0x1  }
0x1f7: {  	s19 =	simm.s32 $0x1130  }
0x1f8: {  	v7 =	vld [tilespmem:s19+$0x0];
	vm1 =	vge.s32 v5, v3;
	v5, _, _ =	vpop (xrf0)  }
0x1f9: {  	(v2sf) =	vpush v5, $0xF  }
0x1fa: {  	v5, _, _ =	vpop (xrf0)  }
0x1fb: {  	v8 =	vsel vm1, $0x1, v1;
	(v2sf) =	vpush v5, $0xF  }
0x1fc: {  	(xrf0) =	vadd.scan.msk.s32 $0xffff, v8;
	s2 =	spop (v2sf)  }
0x1fd: {  	(xrf0) =	vadd.scan.msk.s32 $0xffff, v7;
	s20 =	sadd.s32 $0xFFFFFFFF, s2;
	s21 =	spop (v2sf);
	v8 =	vbroadcast v5, $0xF  }
0x1fe: {  	v11 =	vmov s20;
	s18 =	sadd.s32 s17, s21  }
0x1ff: {  	vm1 =	veq.s32 v11, v0;
	v5 =	vsub.s32 v8, v5;
	v8 =	vadd.s32 s18, v9  }
0x200: {  	v6 =	vnsel vm1, $0x0, v6;
	v8 =	vadd.s32 v5, v8  }
0x201: {  	vm1 =	vge.s32 v8, v3  }
0x202: {  	(xrf0) =	vadd.scan.msk.s32 $0xffff, v6;
	v9, _, _ =	vpop (xrf0);
	v8 =	vsel vm1, $0x1, v1  }
0x203: {  	v6, _, _ =	vpop (xrf0);
	(xrf0) =	vadd.scan.msk.s32 $0xffff, v8  }
0x204: {  	s22 =	simm.s32 $0x1120;
	(v2sf) =	vpush v9, $0xF  }
0x205: {  	v8 =	vld [tilespmem:s22+$0x0];
	_ =	sdelay $0x2  }
0x206: {  	(v2sf) =	vpush v6, $0xF;
	v9, _, _ =	vpop (xrf0);
	s28 =	spop (v2sf)  }
0x207: {  	(v2sf) =	vpush v9, $0xF;
	v9, _, _ =	vpop (xrf0);
	s24 =	sadd.s32 $0xFFFFFFFF, s28  }
0x208: {  	(xrf0) =	vadd.scan.msk.s32 $0xffff, v8;
	(v2sf) =	vpush v9, $0xF;
	v9 =	vbroadcast v6, $0xF;
	s23 =	spop (v2sf);
	v11 =	vmov s24  }
0x209: {  	s19 =	sadd.s32 s18, s23;
	vm1 =	veq.s32 v11, v0  }
0x20a: {  	v6 =	vsub.s32 v9, v6;
	v9 =	vadd.s32 s19, v7;
	v4 =	vnsel vm1, $0x0, v4  }
0x20b: {  	v9 =	vadd.s32 v6, v9;
	(xrf0) =	vadd.scan.msk.s32 $0xffff, v4;
	_ =	sdelay $0x1  }
0x20c: {  	s25 =	simm.s32 $0x1110;
	vm1 =	vge.s32 v9, v3  }
0x20d: {  	v7 =	vld [tilespmem:s25+$0x0];
	v4 =	vsel vm1, $0x1, v1;
	v9, _, _ =	vpop (xrf0)  }
0x20e: {  	(xrf0) =	vadd.scan.msk.s32 $0xffff, v4;
	v4 =	vbroadcast v9, $0xF;
	_ =	sdelay $0x1  }
0x20f: {  	s30 =	spop (v2sf);
	(v2sf) =	vpush v9, $0xF;
	v4 =	vsub.s32 v4, v9;
	v9, _, _ =	vpop (xrf0)  }
0x210: {  	(v2sf) =	vpush v9, $0xF  }
0x211: {  	(xrf0) =	vadd.scan.msk.s32 $0xffff, v7;
	_ =	sdelay $0x2  }
0x212: {  	s3 =	sadd.s32 $0xFFFFFFFF, s30  }
0x213: {  	p0 =	por $0x0, $0x0;
	s1 =	simm.s32 $0x1100;
	s26 =	spop (v2sf);
	v11 =	vmov s3  }
0x214: {  	p2 =	por !p0, !p0;
	p1 =	sgt.s32 s2, $0x0;
	s20 =	sadd.s32 s19, s26;
	vm1 =	veq.s32 v11, v0;
	v9, _, _ =	vpop (xrf0)  }
0x215: {  	s0 =	simm.s32 $0xBF;
	p2 =	por !p1, !p2;
	v12 =	vadd.s32 s20, v8;
	v8 =	vld [tilespmem:s1+$0x0];
	v10 =	vnsel vm1, $0x0, v10;
	(v2sf) =	vpush v9, $0xF;
	v9, _, _ =	vpop (xrf0)  }
0x216: {  	s4 =	sadd.s32 $0xEF, s2;
	s21 =	simm.s32 $0x9F;
	p2 =	por !p2, !p2;
	v11 =	vadd.s32 v4, v12;
	(xrf0) =	vadd.scan.msk.s32 $0xffff, v10;
	(v2sf) =	vpush v9, $0xF  }
0x217: {  	s22 =	sadd.s32 $0xDF, s28;
	s24 =	simm.s32 $0xAF;
	s23 =	simm.s32 $0x7F;
	vm1 =	vge.s32 v11, v3  }
0x218: {  	s25 =	simm.s32 $0x8F;
	s26 =	simm.s32 $0x0;
	s31 =	spop (v2sf);
	v10 =	vsel vm1, $0x1, v1  }
0x219: {  	s29 =	sadd.s32 $0xCF, s30;
	s26 =	smov.u32 @p2 s4;
	s2 =	sadd.s32 $0x0, s31;
	(xrf0) =	vadd.scan.msk.s32 $0xffff, v10  }
0x21a: {  	s14 =	smov.u32 @p2 s2;
	s2 =	simm.s32 $0x6F;
	(xrf0) =	vadd.scan.msk.s32 $0xffff, v8;
	s12 =	spop (v2sf)  }
.LBB2_17:
0x21b: {  	p2 =	sne.s32 s2, $0xFFFFFFFF;
	s3 =	sadd.s32 $0xFFFFFFFF, s12;
	s4 =	sadd.s32 s0, s12  }
0x21c: {  	v10, _, _ =	vpop (xrf0);
	s5 =	smov.u32 s17;
	s17 =	smov.u32 s18;
	s18 =	smov.u32 s19  }
0x21d: {  	v11 =	vbroadcast v9, $0xF;
	s19 =	smov.u32 s20;
	s0 =	smov.u32 s24;
	s6 =	spop (v2sf);
	v12 =	vmov s3;
	(v2sf) =	vpush v10, $0xF  }
0x21e: {  	s24 =	smov.u32 s21;
	s21 =	smov.u32 s25;
	s20 =	sadd.s32 s20, s6;
	vm1 =	veq.s32 v12, v0  }
0x21f: {  	s1 =	sadd.s32 $0xFFFFFFF0, s1;
	s25 =	smov.u32 s23;
	s23 =	smov.u32 s2;
	v10 =	vsub.s32 v11, v9;
	v14 =	vadd.s32 s20, v7;
	v9, _, _ =	vpop (xrf0);
	v12 =	vnsel vm1, $0x0, v5  }
0x220: {  	p0 =	por p0, p1;
	s3 =	smov.u32 s30;
	s30 =	smov.u32 s12;
	v5 =	vmovc v6;
	v6 =	vmov v4;
	v11 =	vld [tilespmem:s1+$0x0];
	v13 =	vadd.s32 v10, v14;
	(v2sf) =	vpush v9, $0xF;
	(xrf0) =	vadd.scan.msk.s32 $0xffff, v12  }
.Ltmp8:
0x221: {  	p1 =	sgt.s32 s28, $0x0;
	p3 =	por !p0, !p0;
	v4 =	vmov v10;
	v7 =	vmov v8;
	v9, _, _ =	vpop (xrf0);
	vm1 =	vge.s32 v13, v3;
	(pc) =	sbr.rel @p2 .LBB2_17-.Ltmp8, $4  }
0x222: {  	p3 =	por !p1, !p3;
	s28 =	smov.u32 s3;
	(v2sf) =	vpush v9, $0xF;
	v8 =	vsel vm1, $0x1, v1;
	s6 =	spop (v2sf)  }
0x223: {  	p3 =	por !p3, !p3;
	(xrf0) =	vadd.scan.msk.s32 $0xffff, v8;
	s3 =	sadd.s32 s16, s6;
	s16 =	smov.u32 s5  }
0x224: {  	s26 =	smov.u32 @p3 s22;
	s22 =	smov.u32 s29;
	s14 =	smov.u32 @p3 s3  }
0x225: {  	s2 =	sadd.s32 $0xFFFFFFF0, s2;
	s29 =	smov.u32 s4;
	(xrf0) =	vadd.scan.msk.s32 $0xffff, v11;
	s12 =	spop (v2sf);
	v8 =	vmov v11  }
0x226: {  	_ =	sdelay $0x5  }
0x227: {  	v11 =	vbroadcast v9, $0xF;
	_ =	sdelay $0x1  }
0x228: {  	v10, _, _ =	vpop (xrf0);
	s1 =	spop (v2sf)  }
0x229: {  	s2 =	sadd.s32 $0xFFFFFFFF, s12;
	s31 =	sadd.s32 s20, s1;
	v12, _, _ =	vpop (xrf0);
	s10 =	spop (v2sf)  }
0x22a: {  	v13 =	vmov s2;
	v9 =	vsub.s32 v11, v9;
	v7 =	vadd.s32 s31, v7;
	v11, _, _ =	vpop (xrf0);
	s7 =	spop (v2sf)  }
0x22b: {  	vm1 =	veq.s32 v13, v0;
	v7 =	vadd.s32 v9, v7;
	v61 =	vbroadcast v11, $0xF;
	s8 =	spop (v2sf)  }
0x22c: {  	v5 =	vnsel vm1, $0x0, v5;
	vm1 =	vge.s32 v7, v3;
	s9 =	sadd.s32 $0xFFFFFFFF, s7;
	s1 =	sadd.s32 s31, s8  }
0x22d: {  	v13 =	vsub.s32 v61, v11;
	v7 =	vmov s9;
	v8 =	vadd.s32 s1, v8  }
0x22e: {  	(xrf0) =	vadd.scan.msk.s32 $0xffff, v5;
	v5 =	vsel vm1, $0x1, v1;
	vm2 =	veq.s32 v7, v0;
	v7 =	vadd.s32 v13, v8  }
0x22f: {  	(xrf0) =	vadd.scan.msk.s32 $0xffff, v5;
	v5 =	vnsel vm2, $0x0, v6;
	vm1 =	vge.s32 v7, v3  }
0x230: {  	(v2sf) =	vpush v10, $0xF;
	(xrf0) =	vadd.scan.msk.s32 $0xffff, v5;
	v3 =	vsel vm1, $0x1, v1  }
0x231: {  	(v2sf) =	vpush v12, $0xF;
	(xrf0) =	vadd.scan.msk.s32 $0xffff, v3;
	_ =	sdelay $0x2  }
0x232: {  	(v2sf) =	vpush v11, $0xF;
	v3, _, _ =	vpop (xrf0)  }
0x233: {  	(v2sf) =	vpush v3, $0xF;
	v3, _, _ =	vpop (xrf0)  }
0x234: {  	(v2sf) =	vpush v3, $0xF;
	v3, _, _ =	vpop (xrf0)  }
0x235: {  	(v2sf) =	vpush v3, $0xF;
	v3, _, _ =	vpop (xrf0)  }
0x236: {  	(v2sf) =	vpush v3, $0xF  }
0x237: {  	p0 =	por p0, p1  }
0x238: {  	s3 =	sadd.s32 s0, s12;
	p2 =	sgt.s32 s28, $0x0;
	p1 =	por !p0, !p0  }
0x239: {  	p3 =	sgt.s32 s30, $0x0;
	p0 =	por p0, p2;
	p1 =	por !p2, !p1  }
0x23a: {  	p2 =	por !p0, !p0;
	p4 =	por p0, p3;
	p0 =	sgt.s32 s12, $0x0  }
0x23b: {  	s0 =	simm.s32 @!p1 $0x0;
	p5 =	por !p3, !p2;
	p2 =	por p4, p0  }
0x23c: {  	s0 =	simm.s32 @p1 $0x1;
	p1 =	por !p4, !p4;
	p6 =	por !p2, !p2  }
0x23d: {  	p5 =	por !p5, !p5;
	[smem:$0x7FB] =	sst s0;
	s2 =	spop (v2sf)  }
0x23e: {  	p0 =	por !p0, !p1;
	p4 =	sgt.s32 s7, $0x0;
	s4 =	spop (v2sf)  }
0x23f: {  	s12 =	sld [smem:$0x7FB];
	p2 =	por p2, p4;
	p3 =	sgt.s32 s4, $0x0  }
0x240: {  	p4 =	por !p4, !p6;
	s6 =	sadd.s32 $0xFFFFFFFF, s4;
	p1 =	por p2, p3  }
0x241: {  	p2 =	por !p2, !p2;
	s28 =	spop (v2sf);
	v3 =	vmov s6;
	s6 =	simm.s32 @!p0 $0x0  }
0x242: {  	p6 =	por !p1, !p1;
	s6 =	simm.s32 @p0 $0x1;
	s0 =	spop (v2sf)  }
0x243: {  	p2 =	por !p3, !p2;
	[smem:$0x7FC] =	sst s6;
	s5 =	spop (v2sf)  }
0x244: {  	vm1 =	veq.s32 v3, v0;
	s28 =	spop (v2sf);
	s30 =	sadd.s32 $0xFFFFFFFF, s5;
	p0 =	sgt.s32 s5, $0x0  }
0x245: {  	v4 =	vnsel vm1, $0x0, v4;
	p3 =	por !p0, !p6;
	p6 =	seq.s32 s12, $0x1;
	s8 =	spop (v2sf)  }
0x246: {  	(xrf0) =	vadd.scan.msk.s32 $0xffff, v4;
	v5 =	vmov s30;
	p0 =	por p1, p0;
	p6 =	por !p6, !p6;
	s9 =	sadd.s32 $0xFFFFFFFF, s8  }
0x247: {  	vm1 =	veq.s32 v5, v0;
	s6 =	simm.s32 @!p3 $0x0;
	s26 =	smov.u32 @p6 s22;
	s22 =	sld [smem:$0x7FC];
	v3 =	vmov s9  }
0x248: {  	p0 =	por !p0, !p0;
	v4 =	vnsel vm1, $0x0, v9;
	s6 =	simm.s32 @p3 $0x1;
	p3 =	sgt.s32 s8, $0x0;
	vm1 =	veq.s32 v3, v0  }
0x249: {  	(xrf0) =	vadd.scan.msk.s32 $0xffff, v4;
	[smem:$0x7FD] =	sst s6;
	p1 =	por !p3, !p0;
	s6 =	sadd.s32 s24, s7;
	v3 =	vnsel vm1, $0x0, v13  }
0x24a: {  	s24 =	sld [smem:$0x7FD];
	p3 =	seq.s32 s22, $0x1;
	s22 =	simm.s32 $0x0;
	(xrf0) =	vadd.scan.msk.s32 $0xffff, v3  }
0x24b: {  	s26 =	smov.u32 @p5 s29;
	p3 =	por !p3, !p3;
	v4 =	vld [tilespmem:s22+$0x0]  }
0x24c: {  	p4 =	por !p4, !p4;
	p2 =	por !p2, !p2;
	s26 =	smov.u32 @p3 s3;
	v3, _, _ =	vpop (xrf0)  }
0x24d: {  	s3 =	sadd.s32 s21, s4;
	p0 =	seq.s32 s24, $0x1;
	s26 =	smov.u32 @p4 s6;
	(v2sf) =	vpush v3, $0xF  }
0x24e: {  	s4 =	sadd.s32 s25, s5;
	p0 =	por !p0, !p0;
	s26 =	smov.u32 @p2 s3  }
0x24f: {  	p1 =	por !p1, !p1;
	v3, _, _ =	vpop (xrf0);
	s3 =	sadd.s32 s23, s8;
	s26 =	smov.u32 @p0 s4  }
0x250: {  	s25 =	sshll.u32 s15, $0x8;
	(v2sf) =	vpush v3, $0xF;
	s26 =	smov.u32 @p1 s3;
	vm1 =	vlt.s32 v4, $0x0;
	v3, _, _ =	vpop (xrf0)  }
0x251: {  	s21 =	simm.s32 $0x20;
	v5 =	vxor.u32 $0xFFFFFFFF, v4;
	v4 =	vor.u32 $0x80000000, v4;
	s3 =	sor.u32 s25, s26;
	(v2sf) =	vpush v3, $0xF  }
0x252: {  	s15 =	simm.s32 $0x10;
	v6 =	vld [tilespmem:s21+$0x0];
	v8 =	vsel vm1, v5, v4;
	v3 =	vmov s3  }
0x253: {  	v4 =	vld [tilespmem:s15+$0x0];
	vm1 =	veq.s32 v8, v3  }
0x254: {  	v5 =	vsel vm1, $0x1, v1  }
0x255: {  	(xrf0) =	vadd.scan.msk.s32 $0xffff, v5;
	_ =	sdelay $0x1  }
0x256: {  	vm3 =	vlt.s32 v6, $0x0  }
0x257: {  	vm2 =	vlt.s32 v4, $0x0;
	v5 =	vxor.u32 $0xFFFFFFFF, v4;
	v4 =	vor.u32 $0x80000000, v4  }
0x258: {  	v7 =	vxor.u32 $0xFFFFFFFF, v6;
	v6 =	vor.u32 $0x80000000, v6;
	v5 =	vsel vm2, v5, v4  }
0x259: {  	s3 =	sadd.s32 s16, s10;
	s16 =	simm.s32 $0x30;
	v6 =	vsel vm3, v7, v6;
	vm2 =	veq.s32 v5, v3  }
0x25a: {  	v9 =	vld [tilespmem:s16+$0x0];
	vm3 =	veq.s32 v6, v3;
	v4 =	vsel vm2, $0x1, v1;
	v11, _, _ =	vpop (xrf0)  }
0x25b: {  	s2 =	sadd.s32 s17, s2;
	s14 =	smov.u32 @p6 s3;
	(xrf0) =	vadd.scan.msk.s32 $0xffff, v4;
	v4 =	vsel vm3, $0x1, v1;
	s29 =	spop (v2sf);
	(v2sf) =	vpush v11, $0xF  }
0x25c: {  	s0 =	sadd.s32 s18, s0;
	s14 =	smov.u32 @p5 s2;
	(xrf0) =	vadd.scan.msk.s32 $0xffff, v4  }
0x25d: {  	s14 =	smov.u32 @p3 s0;
	s0 =	sadd.s32 s19, s28  }
0x25e: {  	s14 =	smov.u32 @p4 s0;
	s0 =	sadd.s32 s20, s29;
	s30 =	spop (v2sf)  }
0x25f: {  	vm4 =	vlt.s32 v9, $0x0;
	v7 =	vxor.u32 $0xFFFFFFFF, v9;
	v9 =	vor.u32 $0x80000000, v9;
	s14 =	smov.u32 @p2 s0;
	s0 =	sadd.s32 s31, s30;
	s31 =	spop (v2sf)  }
0x260: {  	s14 =	smov.u32 @p0 s0;
	s0 =	sadd.s32 s1, s31  }
0x261: {  	vm1 =	vmmov vm1;
	v10, _, _ =	vpop (xrf0);
	s14 =	smov.u32 @p1 s0  }
0x262: {  	vm1 =	vmmov vm1;
	v7 =	vsel vm4, v7, v9;
	(v2sf) =	vpush v10, $0xF;
	v9, _, _ =	vpop (xrf0);
	s0 =	ssub.s32 s13, s14;
	s13 =	simm.s32 $0x40  }
0x263: {  	vm1 =	vmmov vm1;
	vm2 =	vmmov vm2;
	(v2sf) =	vpush v9, $0xF;
	v62 =	vld [tilespmem:s13+$0x0]  }
0x264: {  	vm6 =	vgt.u32 v8, v3;
	vm5 =	vmmov vm1;
	vm2 =	vmmov vm2  }
0x265: {  	vm3 =	vmmov vm3;
	vm4 =	veq.s32 v7, v3;
	vm2 =	vmmov vm2;
	s1 =	simm.s32 $0x0  }
0x266: {  	v63 =	vsel vm4, $0x1, v1;
	v8 =	vadd.s32 s1, v11;
	v4 =	vmov s0  }
0x267: {  	vm3 =	vmmov vm3;
	vm1 =	vmmov vm4;
	(xrf0) =	vadd.scan.msk.s32 $0xffff, v63;
	vm4 =	vle.s32 v8, v4  }
0x268: {  	vm7 =	vlt.s32 v62, $0x0;
	v8 =	vxor.u32 $0xFFFFFFFF, v62;
	v11 =	vor.u32 $0x80000000, v62  }
0x269: {  	vm2 =	vmmov vm2;
	s0 =	simm.s32 $0x50;
	vm5 =	vmand vm5, vm4;
	v8 =	vsel vm7, v8, v11  }
0x26a: {  	s2 =	simm.s32 $0x180;
	vm3 =	vmmov vm3;
	vm5 =	vmor vm6, vm5;
	v11 =	vld [tilespmem:s0+$0x0];
	vm4 =	veq.s32 v8, v3;
	s4 =	spop (v2sf)  }
.LBB2_19:
0x26b: {  	p0 =	sne.s32 s2, $0x3FC0;
	v12 =	vsel vm4, $0x1, v1  }
0x26c: {  	v13 =	vsel vm5, $0x1, v1;
	s1 =	sadd.s32 s1, s4;
	vm6 =	vmmov vm1;
	vm1 =	vmmov vm4;
	s3 =	smov.u32 s2;
	s2 =	sadd.s32 $0x40, s2  }
.Ltmp9:
0x26d: {  	(xrf0) =	vadd.scan.msk.s32 $0xffff, v12;
	v12 =	vadd.s32 s1, v10;
	[tilespmem:s22+$0x1180] =	vst v13;
	v10 =	vmov v9;
	v9, _, _ =	vpop (xrf0);
	s22 =	smov.u32 s15;
	s15 =	smov.u32 s21;
	(pc) =	sbr.rel @p0 .LBB2_19-.Ltmp9, $4  }
0x26e: {  	vm5 =	vgt.u32 v5, v3;
	v5 =	vmovc v6;
	v6 =	vmovc v7;
	s21 =	smov.u32 s16;
	s16 =	smov.u32 s13;
	s13 =	smov.u32 s0;
	(v2sf) =	vpush v9, $0xF;
	vm4 =	vle.s32 v12, v4  }
0x26f: {  	v7 =	vmovc v8;
	s0 =	sshra.s32 s3, $0x2;
	vm7 =	vlt.s32 v11, $0x0;
	v12 =	vxor.u32 $0xFFFFFFFF, v11;
	v13 =	vor.u32 $0x80000000, v11  }
0x270: {  	v11 =	vld [tilespmem:s0+$0x0];
	v8 =	vsel vm7, v12, v13;
	vm7 =	vmand vm2, vm4;
	vm2 =	vmmov vm3;
	_ =	sdelay $0x1  }
0x271: {  	vm3 =	vmmov vm6;
	vm4 =	veq.s32 v8, v3;
	vm5 =	vmor vm5, vm7;
	s4 =	spop (v2sf)  }
0x272: {  	v12 =	vsel vm4, $0x1, v1  }
0x273: {  	(xrf0) =	vadd.scan.msk.s32 $0xffff, v12;
	_ =	sdelay $0x2  }
0x274: {  	vm6 =	vlt.s32 v11, $0x0;
	v53 =	vxor.u32 $0xFFFFFFFF, v11;
	v54 =	vor.u32 $0x80000000, v11  }
0x275: {  	v11 =	vsel vm6, v53, v54  }
0x276: {  	v55, _, _ =	vpop (xrf0);
	vm6 =	veq.s32 v11, v3  }
0x277: {  	(v2sf) =	vpush v55, $0xF;
	v13 =	vsel vm6, $0x1, v1;
	v14, _, _ =	vpop (xrf0)  }
0x278: {  	(xrf0) =	vadd.scan.msk.s32 $0xffff, v13;
	(v2sf) =	vpush v14, $0xF;
	_ =	sdelay $0x5  }
0x279: {  	s1 =	sadd.s32 s1, s4;
	vm15 =	vgt.u32 v5, v3;
	v57 =	vsel vm5, $0x1, v1;
	v56, _, _ =	vpop (xrf0)  }
0x27a: {  	s2 =	spop (v2sf);
	vm1 =	vmmov vm1;
	v10 =	vadd.s32 s1, v10;
	(v2sf) =	vpush v56, $0xF  }
0x27b: {  	vm9 =	vmmov vm4;
	vm3 =	vmmov vm3;
	s1 =	sadd.s32 s1, s2;
	vm7 =	vle.s32 v10, v4  }
0x27c: {  	vm10 =	vgt.u32 v6, v3;
	v9 =	vadd.s32 s1, v9;
	vm2 =	vmand vm2, vm7  }
0x27d: {  	vm1 =	vmmov vm1;
	vm12 =	vle.s32 v9, v4;
	vm2 =	vmor vm15, vm2;
	s25 =	spop (v2sf)  }
0x27e: {  	vm1 =	vmmov vm1;
	vm3 =	vmand vm3, vm12;
	v58 =	vsel vm2, $0x1, v1;
	s1 =	sadd.s32 s1, s25  }
0x27f: {  	vm2 =	vmmov vm9;
	vm11 =	vmmov vm6;
	v59 =	vadd.s32 s1, v55  }
0x280: {  	vm3 =	vmor vm10, vm3;
	vm2 =	vmmov vm2;
	vm13 =	vle.s32 v59, v4  }
0x281: {  	v60 =	vsel vm3, $0x1, v1;
	vm3 =	vgt.u32 v7, v3;
	vm1 =	vmand vm1, vm13;
	s26 =	spop (v2sf)  }
0x282: {  	vm4 =	vmmov vm11;
	vm2 =	vmmov vm2;
	vm1 =	vmor vm3, vm1;
	s1 =	sadd.s32 s1, s26;
	s28 =	spop (v2sf)  }
0x283: {  	vm3 =	vmmov vm4;
	v61 =	vsel vm1, $0x1, v1;
	v62 =	vadd.s32 s1, v14;
	s1 =	sadd.s32 s1, s28  }
0x284: {  	[tilespmem:s22+$0x1180] =	vst v57;
	vm1 =	vgt.u32 v8, v3;
	vm14 =	vle.s32 v62, v4;
	v63 =	vadd.s32 s1, v56  }
0x285: {  	[tilespmem:s15+$0x1180] =	vst v58;
	vm3 =	vmmov vm3;
	vm2 =	vmand vm2, vm14;
	vm15 =	vle.s32 v63, v4  }
0x286: {  	[tilespmem:s21+$0x1180] =	vst v60;
	vm1 =	vmor vm1, vm2;
	vm2 =	vgt.u32 v11, v3;
	vm3 =	vmand vm3, vm15  }
0x287: {  	[tilespmem:s16+$0x1180] =	vst v61;
	v3 =	vsel vm1, $0x1, v1;
	vm1 =	vmor vm2, vm3  }
0x288: {  	s30 =	rddreg [dreg:$0x5];
	s3 =	simm.s32 $0x200;
	s4 =	simm.s32 $0x1;
	[tilespmem:s13+$0x1180] =	vst v3;
	v3 =	vsel vm1, $0x1, v1  }
0x289: {  	s2 =	simm.s32 $0x80;
	s1 =	simm.s32 $0x1180;
	s29 =	spop (v2sf);
	[tilespmem:s0+$0x1180] =	vst v3  }
0x28a: {  	[hbm4b:s30+s2] =	stream.strided.scatter [tilespmem:s1], [sflag:$0x1], $0x1000, s3, s2, $0x38;
	[tilespmem:$0x2180] =	vst v63  }
0x28b: {  	_ =	swait.ge [sflag:s4], $0x1000  }
0x28c: {  	s7 =	rddreg [dreg:$0x4]  }
0x28d: {  	s31 =	rddreg [dreg:$0x7];
	s7 =	sadd.s32 $0x1, s7  }
0x28e: {  	p0 =	sne.s32 s7, s31  }
.Ltmp10:
0x28f: {  	_ = 	snop;
	(pc) =	sbr.rel @p0 .LBB2_2-.Ltmp10, $3  }
0x290: {  	_ =	sdelay $0x1  }
0x291: {  	[sflag:s4] =	ssyncset.done $0x0  }
0x292: {  	[sflag:s4] =	ssyncadd.s32 $0xFFFFF000  }
.LBB2_21:
0x293: {  	_ =	sfence.sel $0x180000  }
0x294: {  	[bflag:$0x0] =	sbarrier.arrive $0xFFFF  }
0x295: {  	_ =	strace $0x90000047  }
0x296: {  	s0 =	stileid.u32;
	[bflag:$0x2] =	sbarrier.arrive $0xFFFF  }
0x297: {  	p0 =	sne.s32 s0, $0x0;
	s0 =	rddreg [dreg:$0x3]  }
0x298: {  	s0 =	sadd.s32 @!p0 $0x100000, s0  }
0x299: {  	[sflag:s0] =	ssyncadd.tile.s32 @!p0 $0x1;
	_ =	shalt  }
.Lfunc_end2:
_tile_overlayer_lowered:
.L_overlay_start_2:
0x29a: {  	(tag) =	ssettag $0x2  }
0x29b: {  	s0 =	rddreg [dreg:$0x0];
	s2 =	stileid.u32  }
0x29c: {  	s1 =	rddreg [dreg:$0x1];
	p0 =	sne.s32 s2, $0x0  }
0x29d: {  	s3 =	rddreg [dreg:$0x2];
	[bflag:$0x3] =	sbarrier.arrive $0xFFFF;
	s2 =	simm.s32 @!p0 $0x1C01  }
0x29e: {  	[timem:s3], [sflag:s2] =	dma.local @!p0 [hbm:s0], s1  }
0x29f: {  	s0 =	simm.s32 @!p0 $0x1  }
0x2a0: {  	_ =	swait.ge @!p0 [sflag:s0], s1  }
0x2a1: {  	s1 =	ssub.s32 @!p0 $0x0, s1;
	[sflag:s0] =	ssyncset.done @!p0 $0x0  }
0x2a2: {  	[sflag:s0] =	ssyncadd.s32 @!p0 s1  }
0x2a3: {  	[bflag:$0x3] =	sbarrier.arrive $0xFFFF  }
0x2a4: {  	_ =	shalt  }

</sc_bundles>
